<compile_context>
chip_gen: v7x
topology: tpu7x:2x2x1
jax: 0.10.2.dev20260603
libtpu: 0.0.44.dev20260713+nightly
codegen_flags: <defaults>
</compile_context>

<pallas_src>
import functools

import jax
import jax.numpy as jnp
from jax.experimental import pallas as pl
from jax.experimental.pallas import tpu as pltpu
from jax.experimental.pallas import tpu_sc as plsc

_EPS = 1e-5
_HIDDEN = 128
_ROW_BLOCK = 256
_GATHER_W = 128
_GATHER_PER_STEP = 2


def _ln_body(x_ref, w_ref, b_ref, o_ref):
    x = x_ref[...]
    mean = jnp.mean(x, axis=1, keepdims=True)
    xc = x - mean
    var = jnp.mean(xc * xc, axis=1, keepdims=True)
    o_ref[...] = xc * jax.lax.rsqrt(var + _EPS) * w_ref[...] + b_ref[...]


def _normalize_table(table, ln_weight, ln_bias):
    rows = table.shape[0]
    grid = (pl.cdiv(rows, _ROW_BLOCK),)
    return pl.pallas_call(
        _ln_body,
        grid=grid,
        in_specs=[
            pl.BlockSpec((_ROW_BLOCK, _HIDDEN), lambda i: (i, 0)),
            pl.BlockSpec((1, _HIDDEN), lambda i: (0, 0)),
            pl.BlockSpec((1, _HIDDEN), lambda i: (0, 0)),
        ],
        out_specs=pl.BlockSpec((_ROW_BLOCK, _HIDDEN), lambda i: (i, 0)),
        out_shape=jax.ShapeDtypeStruct((rows, _HIDDEN), jnp.float32),
    )(table, ln_weight.reshape(1, _HIDDEN), ln_bias.reshape(1, _HIDDEN))


_NBUF = 6
_BLOCK = 128
_PF = 3


def _sc_gather(table_norm, ids_flat):
    n = ids_flat.shape[0]
    mesh = plsc.VectorSubcoreMesh(core_axis_name="core", subcore_axis_name="subcore")
    n_workers = 32
    per_w = n // n_workers
    nsteps = per_w // _BLOCK
    n_pre = per_w - _BLOCK

    @functools.partial(
        pl.kernel,
        out_type=jax.ShapeDtypeStruct((n, _HIDDEN), jnp.float32),
        mesh=mesh,
        scratch_types=[
            pltpu.VMEM((n_pre,), jnp.int32),
            pltpu.VMEM((_NBUF, _BLOCK, _HIDDEN), jnp.float32),
            pltpu.SemaphoreType.DMA((_NBUF,)),
            pltpu.SemaphoreType.DMA((_NBUF,)),
        ],
    )
    def k(tab_hbm, i_hbm, o_hbm, idx_v, rows_v, gsem, wsem):
        wid = jax.lax.axis_index("subcore") * 2 + jax.lax.axis_index("core")
        base = wid * per_w

        def gather_start(b, slot, idx_off):
            for j in range(_BLOCK // _GATHER_W):
                pltpu.async_copy(
                    tab_hbm.at[idx_v.at[pl.ds(idx_off + j * _GATHER_W, _GATHER_W)]],
                    rows_v.at[b, pl.ds(j * _GATHER_W, _GATHER_W)],
                    gsem.at[b],
                )

        def gather_drain(b):
            pltpu.make_async_copy(
                tab_hbm.at[pl.ds(0, _BLOCK)], rows_v.at[b], gsem.at[b]
            ).wait()

        def write_start(b, slot):
            pltpu.async_copy(
                rows_v.at[b],
                o_hbm.at[pl.ds(base + slot * _BLOCK, _BLOCK)],
                wsem.at[b],
            )

        def write_drain(b):
            pltpu.make_async_copy(
                rows_v.at[b], o_hbm.at[pl.ds(base, _BLOCK)], wsem.at[b]
            ).wait()

        pltpu.sync_copy(i_hbm.at[pl.ds(base, n_pre)], idx_v)

        for s in range(_PF):
            gather_start(s, s, s * _BLOCK)
        gather_drain(0)
        write_start(0, 0)
        gather_start(_PF, _PF, _PF * _BLOCK)
        pltpu.sync_copy(i_hbm.at[pl.ds(base + n_pre, _BLOCK)],
                        idx_v.at[pl.ds(0, _BLOCK)])
        for s in range(1, _PF):
            gather_drain(s)
            write_start(s, s)
            gather_start(s + _PF, s + _PF, (s + _PF) * _BLOCK)

        @pl.loop(_PF, _PF + ((nsteps - 2 * _PF - 1) // _NBUF) * _NBUF,
                 step=_NBUF)
        def _(s):
            for o in range(_NBUF):
                b = (_PF + o) % _NBUF
                slot = s + o
                gather_drain(b)
                write_start(b, slot)
                nb = (b + _PF) % _NBUF
                write_drain(nb)
                gather_start(nb, slot + _PF, (slot + _PF) * _BLOCK)

        tail_start = _PF + ((nsteps - 2 * _PF - 1) // _NBUF) * _NBUF
        for slot in range(tail_start, nsteps):
            b = slot % _NBUF
            gather_drain(b)
            write_start(b, slot)
            if slot + _PF < nsteps:
                nb = (b + _PF) % _NBUF
                write_drain(nb)
                pf_slot = slot + _PF
                idx_off = 0 if pf_slot == nsteps - 1 else pf_slot * _BLOCK
                gather_start(nb, pf_slot, idx_off)
        for slot in range(nsteps - _NBUF, nsteps):
            write_drain(slot % _NBUF)

    return k(table_norm, ids_flat)


def kernel(value_ids, table, ln_weight, ln_bias):
    batch, seq = value_ids.shape
    table_norm = _normalize_table(table, ln_weight, ln_bias)
    out = _sc_gather(table_norm, value_ids.reshape(-1).astype(jnp.int32))
    return out.reshape(batch, seq, _HIDDEN)

# --- scband reference (transcript-rebuilt; emitter-appended) ---
"""Pipeline reference for scband-tabular-embeddings-80049600463670 (READ-ONLY COPY).

The authoritative reference and input builder live on the scoring server;
editing this copy changes nothing except your own understanding.
"""

import jax, jax.numpy as jnp
import numpy as np

PAD_TOKEN_ID = 0
VOCAB = 32768 + 2
HIDDEN = 128
BATCH = 16384
SEQ = 64
EPS = 1e-5


def setup_inputs(seed: int = 0) -> dict:
    key = jax.random.key(seed)
    k1, k2 = jax.random.split(key)
    value_ids = jax.random.randint(k1, (BATCH, SEQ), 0, VOCAB, dtype=jnp.int64 if jax.config.jax_enable_x64 else jnp.int32)
    table = jax.random.normal(k2, (VOCAB, HIDDEN), dtype=jnp.float32)
    # padding_idx=0 row is zeroed in torch nn.Embedding
    table = table.at[PAD_TOKEN_ID].set(0.0)
    ln_weight = jnp.ones((HIDDEN,), dtype=jnp.float32)
    ln_bias = jnp.zeros((HIDDEN,), dtype=jnp.float32)
    return {"value_ids": value_ids, "table": table, "ln_weight": ln_weight, "ln_bias": ln_bias}


def reference(value_ids, table, ln_weight, ln_bias):
    # embedding lookup (SparseCore-friendly gather)
    emb = jnp.take(table, value_ids, axis=0)  # (B, S, H)
    # LayerNorm over last dim (eps=1e-5, torch default)
    mean = jnp.mean(emb, axis=-1, keepdims=True)
    var = jnp.mean(jnp.square(emb - mean), axis=-1, keepdims=True)
    normed = (emb - mean) / jnp.sqrt(var + EPS)
    out = normed * ln_weight + ln_bias
    # dropout is identity in eval mode
    return out

if __name__ == "__main__":
    import jax
    _d = setup_inputs()
    print(jax.jit(kernel)(*tuple(_d.values())))

</pallas_src>

<mosaic_0001>
#map = affine_map<(d0, d1) -> (0, 0)>
#map1 = affine_map<(d0, d1) -> (0)>
module attributes {stable_mosaic.version = 14 : i64} {
  func.func @k(%arg0: i32, %arg1: i32, %arg2: memref<32770x128xf32, #tpu.memory_space<hbm>>, %arg3: memref<1048576xi32, #tpu.memory_space<hbm>>, %arg4: memref<1048576x128xf32, #tpu.memory_space<hbm>>, %arg5: memref<32640xi32, #tpu.memory_space<vmem>>, %arg6: memref<6x128x128xf32, #tpu.memory_space<vmem>>, %arg7: memref<6x!tpu.dma_semaphore, #tpu.memory_space<semaphore_mem>>, %arg8: memref<6x!tpu.dma_semaphore, #tpu.memory_space<semaphore_mem>>) attributes {dimension_semantics = [#tpu.dimension_semantics<core_parallel>, #tpu.dimension_semantics<subcore_parallel>], iteration_bounds = array<i64: 2, 16>, scalar_prefetch = 0 : i64, scratch_operands = 4 : i64, tpu.core_type = #tpu.core_type<sc_vector_subcore>, window_params = [{transform_indices = #map}, {transform_indices = #map1}, {transform_indices = #map}]} {
    %mul3A = arith.constant 2 : i32
    %mul3A_0 = arith.muli %arg1, %mul3A : i32
    %add3A = arith.addi %mul3A_0, %arg0 : i32
    %mul3A_1 = arith.constant 32768 : i32
    %mul3A_2 = arith.muli %add3A, %mul3A_1 : i32
    "tpu.region"() ({
      %run_scoped3A = tpu.sem_alloc : memref<!tpu.dma_semaphore, #tpu.memory_space<semaphore_mem>>
      %dma_start3A_657 = tpu.memref_slice %arg3[%mul3A_2] : memref<1048576xi32, #tpu.memory_space<hbm>> -> memref<32640xi32, #tpu.memory_space<hbm>>
      %dma_start3A_658 = tpu.memref_slice %arg3[%mul3A_2] : memref<1048576xi32, #tpu.memory_space<hbm>> -> memref<32640xi32, #tpu.memory_space<hbm>>
      tpu.enqueue_dma source(%dma_start3A_658 : memref<32640xi32, #tpu.memory_space<hbm>>) target(%arg5 : memref<32640xi32, #tpu.memory_space<vmem>>) target_semaphore(%run_scoped3A : memref<!tpu.dma_semaphore, #tpu.memory_space<semaphore_mem>>)
      %dma_wait3A_659 = tpu.memref_slice %arg3[%mul3A_2] : memref<1048576xi32, #tpu.memory_space<hbm>> -> memref<32640xi32, #tpu.memory_space<hbm>>
      %dma_wait3A_660 = tpu.memref_slice %arg3[%mul3A_2] : memref<1048576xi32, #tpu.memory_space<hbm>> -> memref<32640xi32, #tpu.memory_space<hbm>>
      tpu.wait_dma2 semaphore(%run_scoped3A : memref<!tpu.dma_semaphore, #tpu.memory_space<semaphore_mem>>) src(%dma_wait3A_660 : memref<32640xi32, #tpu.memory_space<hbm>>) dst(%arg5 : memref<32640xi32, #tpu.memory_space<vmem>>)
      tpu.yield
    }) : () -> ()
    %dma_start3A = arith.constant 0 : i32
    %dma_start3A_3 = arith.constant 0 : i32
    %dma_start3A_4 = arith.constant 0 : i32
    %dma_start3A_5 = arith.constant 0 : i32
    %dma_start3A_6 = tpu.memref_slice %arg6[%dma_start3A, %dma_start3A_4, %dma_start3A_5] : memref<6x128x128xf32, #tpu.memory_space<vmem>> -> memref<1x128x128xf32, #tpu.memory_space<vmem>>
    %dma_start3A_7 = tpu.memref_squeeze %dma_start3A_6 : memref<1x128x128xf32, #tpu.memory_space<vmem>> -> memref<128x128xf32, #tpu.memory_space<vmem>>
    %dma_start3A_8 = arith.constant 0 : i32
    %dma_start3A_9 = tpu.memref_slice %arg5[%dma_start3A_8] : memref<32640xi32, #tpu.memory_space<vmem>> -> memref<128xi32, #tpu.memory_space<vmem>>
    %dma_start3A_10 = arith.constant 0 : i32
    %dma_start3A_11 = arith.constant 0 : i32
    %dma_start3A_12 = tpu.memref_slice %arg2[%dma_start3A_10, %dma_start3A_11] : memref<32770x128xf32, #tpu.memory_space<hbm>> -> memref<32770x128xf32, #tpu.memory_space<hbm>>
    %dma_start3A_13 = tpu.memref_slice %arg7[%dma_start3A_3] : memref<6x!tpu.dma_semaphore, #tpu.memory_space<semaphore_mem>> -> memref<1x!tpu.dma_semaphore, #tpu.memory_space<semaphore_mem>>
    %dma_start3A_14 = tpu.memref_squeeze %dma_start3A_13 : memref<1x!tpu.dma_semaphore, #tpu.memory_space<semaphore_mem>> -> memref<!tpu.dma_semaphore, #tpu.memory_space<semaphore_mem>>
    tpu.enqueue_indirect_dma source(%dma_start3A_12 : memref<32770x128xf32, #tpu.memory_space<hbm>>) target(%dma_start3A_7 : memref<128x128xf32, #tpu.memory_space<vmem>>) offsets(%dma_start3A_9 : memref<128xi32, #tpu.memory_space<vmem>>) semaphore(%dma_start3A_14 : memref<!tpu.dma_semaphore, #tpu.memory_space<semaphore_mem>>)
    %dma_start3A_15 = arith.constant 1 : i32
    %dma_start3A_16 = arith.constant 1 : i32
    %dma_start3A_17 = arith.constant 0 : i32
    %dma_start3A_18 = arith.constant 0 : i32
    %dma_start3A_19 = tpu.memref_slice %arg6[%dma_start3A_15, %dma_start3A_17, %dma_start3A_18] : memref<6x128x128xf32, #tpu.memory_space<vmem>> -> memref<1x128x128xf32, #tpu.memory_space<vmem>>
    %dma_start3A_20 = tpu.memref_squeeze %dma_start3A_19 : memref<1x128x128xf32, #tpu.memory_space<vmem>> -> memref<128x128xf32, #tpu.memory_space<vmem>>
    %dma_start3A_21 = arith.constant 128 : i32
    %dma_start3A_22 = tpu.memref_slice %arg5[%dma_start3A_21] : memref<32640xi32, #tpu.memory_space<vmem>> -> memref<128xi32, #tpu.memory_space<vmem>>
    %dma_start3A_23 = arith.constant 0 : i32
    %dma_start3A_24 = arith.constant 0 : i32
    %dma_start3A_25 = tpu.memref_slice %arg2[%dma_start3A_23, %dma_start3A_24] : memref<32770x128xf32, #tpu.memory_space<hbm>> -> memref<32770x128xf32, #tpu.memory_space<hbm>>
    %dma_start3A_26 = tpu.memref_slice %arg7[%dma_start3A_16] : memref<6x!tpu.dma_semaphore, #tpu.memory_space<semaphore_mem>> -> memref<1x!tpu.dma_semaphore, #tpu.memory_space<semaphore_mem>>
    %dma_start3A_27 = tpu.memref_squeeze %dma_start3A_26 : memref<1x!tpu.dma_semaphore, #tpu.memory_space<semaphore_mem>> -> memref<!tpu.dma_semaphore, #tpu.memory_space<semaphore_mem>>
    tpu.enqueue_indirect_dma source(%dma_start3A_25 : memref<32770x128xf32, #tpu.memory_space<hbm>>) target(%dma_start3A_20 : memref<128x128xf32, #tpu.memory_space<vmem>>) offsets(%dma_start3A_22 : memref<128xi32, #tpu.memory_space<vmem>>) semaphore(%dma_start3A_27 : memref<!tpu.dma_semaphore, #tpu.memory_space<semaphore_mem>>)
    %dma_start3A_28 = arith.constant 2 : i32
    %dma_start3A_29 = arith.constant 2 : i32
    %dma_start3A_30 = arith.constant 0 : i32
    %dma_start3A_31 = arith.constant 0 : i32
    %dma_start3A_32 = tpu.memref_slice %arg6[%dma_start3A_28, %dma_start3A_30, %dma_start3A_31] : memref<6x128x128xf32, #tpu.memory_space<vmem>> -> memref<1x128x128xf32, #tpu.memory_space<vmem>>
    %dma_start3A_33 = tpu.memref_squeeze %dma_start3A_32 : memref<1x128x128xf32, #tpu.memory_space<vmem>> -> memref<128x128xf32, #tpu.memory_space<vmem>>
    %dma_start3A_34 = arith.constant 256 : i32
    %dma_start3A_35 = tpu.memref_slice %arg5[%dma_start3A_34] : memref<32640xi32, #tpu.memory_space<vmem>> -> memref<128xi32, #tpu.memory_space<vmem>>
    %dma_start3A_36 = arith.constant 0 : i32
    %dma_start3A_37 = arith.constant 0 : i32
    %dma_start3A_38 = tpu.memref_slice %arg2[%dma_start3A_36, %dma_start3A_37] : memref<32770x128xf32, #tpu.memory_space<hbm>> -> memref<32770x128xf32, #tpu.memory_space<hbm>>
    %dma_start3A_39 = tpu.memref_slice %arg7[%dma_start3A_29] : memref<6x!tpu.dma_semaphore, #tpu.memory_space<semaphore_mem>> -> memref<1x!tpu.dma_semaphore, #tpu.memory_space<semaphore_mem>>
    %dma_start3A_40 = tpu.memref_squeeze %dma_start3A_39 : memref<1x!tpu.dma_semaphore, #tpu.memory_space<semaphore_mem>> -> memref<!tpu.dma_semaphore, #tpu.memory_space<semaphore_mem>>
    tpu.enqueue_indirect_dma source(%dma_start3A_38 : memref<32770x128xf32, #tpu.memory_space<hbm>>) target(%dma_start3A_33 : memref<128x128xf32, #tpu.memory_space<vmem>>) offsets(%dma_start3A_35 : memref<128xi32, #tpu.memory_space<vmem>>) semaphore(%dma_start3A_40 : memref<!tpu.dma_semaphore, #tpu.memory_space<semaphore_mem>>)
    %dma_wait3A = arith.constant 0 : i32
    %dma_wait3A_41 = arith.constant 0 : i32
    %dma_wait3A_42 = arith.constant 0 : i32
    %dma_wait3A_43 = arith.constant 0 : i32
    %dma_wait3A_44 = tpu.memref_slice %arg6[%dma_wait3A, %dma_wait3A_42, %dma_wait3A_43] : memref<6x128x128xf32, #tpu.memory_space<vmem>> -> memref<1x128x128xf32, #tpu.memory_space<vmem>>
    %dma_wait3A_45 = tpu.memref_squeeze %dma_wait3A_44 : memref<1x128x128xf32, #tpu.memory_space<vmem>> -> memref<128x128xf32, #tpu.memory_space<vmem>>
    %dma_wait3A_46 = arith.constant 0 : i32
    %dma_wait3A_47 = arith.constant 0 : i32
    %dma_wait3A_48 = tpu.memref_slice %arg2[%dma_wait3A_46, %dma_wait3A_47] : memref<32770x128xf32, #tpu.memory_space<hbm>> -> memref<128x128xf32, #tpu.memory_space<hbm>>
    %dma_wait3A_49 = tpu.memref_slice %arg7[%dma_wait3A_41] : memref<6x!tpu.dma_semaphore, #tpu.memory_space<semaphore_mem>> -> memref<1x!tpu.dma_semaphore, #tpu.memory_space<semaphore_mem>>
    %dma_wait3A_50 = tpu.memref_squeeze %dma_wait3A_49 : memref<1x!tpu.dma_semaphore, #tpu.memory_space<semaphore_mem>> -> memref<!tpu.dma_semaphore, #tpu.memory_space<semaphore_mem>>
    %dma_wait3A_51 = arith.constant 0 : i32
    %dma_wait3A_52 = arith.constant 0 : i32
    %dma_wait3A_53 = tpu.memref_slice %arg6[%dma_wait3A, %dma_wait3A_51, %dma_wait3A_52] : memref<6x128x128xf32, #tpu.memory_space<vmem>> -> memref<1x128x128xf32, #tpu.memory_space<vmem>>
    %dma_wait3A_54 = tpu.memref_squeeze %dma_wait3A_53 : memref<1x128x128xf32, #tpu.memory_space<vmem>> -> memref<128x128xf32, #tpu.memory_space<vmem>>
    %dma_wait3A_55 = arith.constant 0 : i32
    %dma_wait3A_56 = arith.constant 0 : i32
    %dma_wait3A_57 = tpu.memref_slice %arg2[%dma_wait3A_55, %dma_wait3A_56] : memref<32770x128xf32, #tpu.memory_space<hbm>> -> memref<128x128xf32, #tpu.memory_space<hbm>>
    tpu.wait_dma2 semaphore(%dma_wait3A_50 : memref<!tpu.dma_semaphore, #tpu.memory_space<semaphore_mem>>) src(%dma_wait3A_57 : memref<128x128xf32, #tpu.memory_space<hbm>>) dst(%dma_wait3A_54 : memref<128x128xf32, #tpu.memory_space<vmem>>)
    %add3A_58 = arith.constant 0 : i32
    %add3A_59 = arith.addi %mul3A_2, %add3A_58 : i32
    %dma_start3A_60 = arith.constant 0 : i32
    %dma_start3A_61 = arith.constant 0 : i32
    %dma_start3A_62 = arith.constant 0 : i32
    %dma_start3A_63 = arith.constant 0 : i32
    %dma_start3A_64 = tpu.memref_slice %arg6[%dma_start3A_60, %dma_start3A_62, %dma_start3A_63] : memref<6x128x128xf32, #tpu.memory_space<vmem>> -> memref<1x128x128xf32, #tpu.memory_space<vmem>>
    %dma_start3A_65 = tpu.memref_squeeze %dma_start3A_64 : memref<1x128x128xf32, #tpu.memory_space<vmem>> -> memref<128x128xf32, #tpu.memory_space<vmem>>
    %dma_start3A_66 = arith.constant 0 : i32
    %dma_start3A_67 = tpu.memref_slice %arg4[%add3A_59, %dma_start3A_66] : memref<1048576x128xf32, #tpu.memory_space<hbm>> -> memref<128x128xf32, #tpu.memory_space<hbm>>
    %dma_start3A_68 = tpu.memref_slice %arg8[%dma_start3A_61] : memref<6x!tpu.dma_semaphore, #tpu.memory_space<semaphore_mem>> -> memref<1x!tpu.dma_semaphore, #tpu.memory_space<semaphore_mem>>
    %dma_start3A_69 = tpu.memref_squeeze %dma_start3A_68 : memref<1x!tpu.dma_semaphore, #tpu.memory_space<semaphore_mem>> -> memref<!tpu.dma_semaphore, #tpu.memory_space<semaphore_mem>>
    %dma_start3A_70 = arith.constant 0 : i32
    %dma_start3A_71 = tpu.memref_slice %arg4[%add3A_59, %dma_start3A_70] : memref<1048576x128xf32, #tpu.memory_space<hbm>> -> memref<128x128xf32, #tpu.memory_space<hbm>>
    %dma_start3A_72 = arith.constant 0 : i32
    %dma_start3A_73 = arith.constant 0 : i32
    %dma_start3A_74 = tpu.memref_slice %arg6[%dma_start3A_60, %dma_start3A_72, %dma_start3A_73] : memref<6x128x128xf32, #tpu.memory_space<vmem>> -> memref<1x128x128xf32, #tpu.memory_space<vmem>>
    %dma_start3A_75 = tpu.memref_squeeze %dma_start3A_74 : memref<1x128x128xf32, #tpu.memory_space<vmem>> -> memref<128x128xf32, #tpu.memory_space<vmem>>
    tpu.enqueue_dma source(%dma_start3A_75 : memref<128x128xf32, #tpu.memory_space<vmem>>) target(%dma_start3A_71 : memref<128x128xf32, #tpu.memory_space<hbm>>) target_semaphore(%dma_start3A_69 : memref<!tpu.dma_semaphore, #tpu.memory_space<semaphore_mem>>)
    %dma_start3A_76 = arith.constant 3 : i32
    %dma_start3A_77 = arith.constant 3 : i32
    %dma_start3A_78 = arith.constant 0 : i32
    %dma_start3A_79 = arith.constant 0 : i32
    %dma_start3A_80 = tpu.memref_slice %arg6[%dma_start3A_76, %dma_start3A_78, %dma_start3A_79] : memref<6x128x128xf32, #tpu.memory_space<vmem>> -> memref<1x128x128xf32, #tpu.memory_space<vmem>>
    %dma_start3A_81 = tpu.memref_squeeze %dma_start3A_80 : memref<1x128x128xf32, #tpu.memory_space<vmem>> -> memref<128x128xf32, #tpu.memory_space<vmem>>
    %dma_start3A_82 = arith.constant 384 : i32
    %dma_start3A_83 = tpu.memref_slice %arg5[%dma_start3A_82] : memref<32640xi32, #tpu.memory_space<vmem>> -> memref<128xi32, #tpu.memory_space<vmem>>
    %dma_start3A_84 = arith.constant 0 : i32
    %dma_start3A_85 = arith.constant 0 : i32
    %dma_start3A_86 = tpu.memref_slice %arg2[%dma_start3A_84, %dma_start3A_85] : memref<32770x128xf32, #tpu.memory_space<hbm>> -> memref<32770x128xf32, #tpu.memory_space<hbm>>
    %dma_start3A_87 = tpu.memref_slice %arg7[%dma_start3A_77] : memref<6x!tpu.dma_semaphore, #tpu.memory_space<semaphore_mem>> -> memref<1x!tpu.dma_semaphore, #tpu.memory_space<semaphore_mem>>
    %dma_start3A_88 = tpu.memref_squeeze %dma_start3A_87 : memref<1x!tpu.dma_semaphore, #tpu.memory_space<semaphore_mem>> -> memref<!tpu.dma_semaphore, #tpu.memory_space<semaphore_mem>>
    tpu.enqueue_indirect_dma source(%dma_start3A_86 : memref<32770x128xf32, #tpu.memory_space<hbm>>) target(%dma_start3A_81 : memref<128x128xf32, #tpu.memory_space<vmem>>) offsets(%dma_start3A_83 : memref<128xi32, #tpu.memory_space<vmem>>) semaphore(%dma_start3A_88 : memref<!tpu.dma_semaphore, #tpu.memory_space<semaphore_mem>>)
    %add3A_89 = arith.constant 32640 : i32
    %add3A_90 = arith.addi %mul3A_2, %add3A_89 : i32
    "tpu.region"() ({
      %run_scoped3A = tpu.sem_alloc : memref<!tpu.dma_semaphore, #tpu.memory_space<semaphore_mem>>
      %dma_start3A_657 = arith.constant 0 : i32
      %dma_start3A_658 = tpu.memref_slice %arg5[%dma_start3A_657] : memref<32640xi32, #tpu.memory_space<vmem>> -> memref<128xi32, #tpu.memory_space<vmem>>
      %dma_start3A_659 = tpu.memref_slice %arg3[%add3A_90] : memref<1048576xi32, #tpu.memory_space<hbm>> -> memref<128xi32, #tpu.memory_space<hbm>>
      %dma_start3A_660 = arith.constant 0 : i32
      %dma_start3A_661 = tpu.memref_slice %arg5[%dma_start3A_660] : memref<32640xi32, #tpu.memory_space<vmem>> -> memref<128xi32, #tpu.memory_space<vmem>>
      %dma_start3A_662 = tpu.memref_slice %arg3[%add3A_90] : memref<1048576xi32, #tpu.memory_space<hbm>> -> memref<128xi32, #tpu.memory_space<hbm>>
      tpu.enqueue_dma source(%dma_start3A_662 : memref<128xi32, #tpu.memory_space<hbm>>) target(%dma_start3A_661 : memref<128xi32, #tpu.memory_space<vmem>>) target_semaphore(%run_scoped3A : memref<!tpu.dma_semaphore, #tpu.memory_space<semaphore_mem>>)
      %dma_wait3A_663 = arith.constant 0 : i32
      %dma_wait3A_664 = tpu.memref_slice %arg5[%dma_wait3A_663] : memref<32640xi32, #tpu.memory_space<vmem>> -> memref<128xi32, #tpu.memory_space<vmem>>
      %dma_wait3A_665 = tpu.memref_slice %arg3[%add3A_90] : memref<1048576xi32, #tpu.memory_space<hbm>> -> memref<128xi32, #tpu.memory_space<hbm>>
      %dma_wait3A_666 = arith.constant 0 : i32
      %dma_wait3A_667 = tpu.memref_slice %arg5[%dma_wait3A_666] : memref<32640xi32, #tpu.memory_space<vmem>> -> memref<128xi32, #tpu.memory_space<vmem>>
      %dma_wait3A_668 = tpu.memref_slice %arg3[%add3A_90] : memref<1048576xi32, #tpu.memory_space<hbm>> -> memref<128xi32, #tpu.memory_space<hbm>>
      tpu.wait_dma2 semaphore(%run_scoped3A : memref<!tpu.dma_semaphore, #tpu.memory_space<semaphore_mem>>) src(%dma_wait3A_668 : memref<128xi32, #tpu.memory_space<hbm>>) dst(%dma_wait3A_667 : memref<128xi32, #tpu.memory_space<vmem>>)
      tpu.yield
    }) : () -> ()
    %dma_wait3A_91 = arith.constant 1 : i32
    %dma_wait3A_92 = arith.constant 1 : i32
    %dma_wait3A_93 = arith.constant 0 : i32
    %dma_wait3A_94 = arith.constant 0 : i32
    %dma_wait3A_95 = tpu.memref_slice %arg6[%dma_wait3A_91, %dma_wait3A_93, %dma_wait3A_94] : memref<6x128x128xf32, #tpu.memory_space<vmem>> -> memref<1x128x128xf32, #tpu.memory_space<vmem>>
    %dma_wait3A_96 = tpu.memref_squeeze %dma_wait3A_95 : memref<1x128x128xf32, #tpu.memory_space<vmem>> -> memref<128x128xf32, #tpu.memory_space<vmem>>
    %dma_wait3A_97 = arith.constant 0 : i32
    %dma_wait3A_98 = arith.constant 0 : i32
    %dma_wait3A_99 = tpu.memref_slice %arg2[%dma_wait3A_97, %dma_wait3A_98] : memref<32770x128xf32, #tpu.memory_space<hbm>> -> memref<128x128xf32, #tpu.memory_space<hbm>>
    %dma_wait3A_100 = tpu.memref_slice %arg7[%dma_wait3A_92] : memref<6x!tpu.dma_semaphore, #tpu.memory_space<semaphore_mem>> -> memref<1x!tpu.dma_semaphore, #tpu.memory_space<semaphore_mem>>
    %dma_wait3A_101 = tpu.memref_squeeze %dma_wait3A_100 : memref<1x!tpu.dma_semaphore, #tpu.memory_space<semaphore_mem>> -> memref<!tpu.dma_semaphore, #tpu.memory_space<semaphore_mem>>
    %dma_wait3A_102 = arith.constant 0 : i32
    %dma_wait3A_103 = arith.constant 0 : i32
    %dma_wait3A_104 = tpu.memref_slice %arg6[%dma_wait3A_91, %dma_wait3A_102, %dma_wait3A_103] : memref<6x128x128xf32, #tpu.memory_space<vmem>> -> memref<1x128x128xf32, #tpu.memory_space<vmem>>
    %dma_wait3A_105 = tpu.memref_squeeze %dma_wait3A_104 : memref<1x128x128xf32, #tpu.memory_space<vmem>> -> memref<128x128xf32, #tpu.memory_space<vmem>>
    %dma_wait3A_106 = arith.constant 0 : i32
    %dma_wait3A_107 = arith.constant 0 : i32
    %dma_wait3A_108 = tpu.memref_slice %arg2[%dma_wait3A_106, %dma_wait3A_107] : memref<32770x128xf32, #tpu.memory_space<hbm>> -> memref<128x128xf32, #tpu.memory_space<hbm>>
    tpu.wait_dma2 semaphore(%dma_wait3A_101 : memref<!tpu.dma_semaphore, #tpu.memory_space<semaphore_mem>>) src(%dma_wait3A_108 : memref<128x128xf32, #tpu.memory_space<hbm>>) dst(%dma_wait3A_105 : memref<128x128xf32, #tpu.memory_space<vmem>>)
    %add3A_109 = arith.constant 128 : i32
    %add3A_110 = arith.addi %mul3A_2, %add3A_109 : i32
    %dma_start3A_111 = arith.constant 1 : i32
    %dma_start3A_112 = arith.constant 1 : i32
    %dma_start3A_113 = arith.constant 0 : i32
    %dma_start3A_114 = arith.constant 0 : i32
    %dma_start3A_115 = tpu.memref_slice %arg6[%dma_start3A_111, %dma_start3A_113, %dma_start3A_114] : memref<6x128x128xf32, #tpu.memory_space<vmem>> -> memref<1x128x128xf32, #tpu.memory_space<vmem>>
    %dma_start3A_116 = tpu.memref_squeeze %dma_start3A_115 : memref<1x128x128xf32, #tpu.memory_space<vmem>> -> memref<128x128xf32, #tpu.memory_space<vmem>>
    %dma_start3A_117 = arith.constant 0 : i32
    %dma_start3A_118 = tpu.memref_slice %arg4[%add3A_110, %dma_start3A_117] : memref<1048576x128xf32, #tpu.memory_space<hbm>> -> memref<128x128xf32, #tpu.memory_space<hbm>>
    %dma_start3A_119 = tpu.memref_slice %arg8[%dma_start3A_112] : memref<6x!tpu.dma_semaphore, #tpu.memory_space<semaphore_mem>> -> memref<1x!tpu.dma_semaphore, #tpu.memory_space<semaphore_mem>>
    %dma_start3A_120 = tpu.memref_squeeze %dma_start3A_119 : memref<1x!tpu.dma_semaphore, #tpu.memory_space<semaphore_mem>> -> memref<!tpu.dma_semaphore, #tpu.memory_space<semaphore_mem>>
    %dma_start3A_121 = arith.constant 0 : i32
    %dma_start3A_122 = tpu.memref_slice %arg4[%add3A_110, %dma_start3A_121] : memref<1048576x128xf32, #tpu.memory_space<hbm>> -> memref<128x128xf32, #tpu.memory_space<hbm>>
    %dma_start3A_123 = arith.constant 0 : i32
    %dma_start3A_124 = arith.constant 0 : i32
    %dma_start3A_125 = tpu.memref_slice %arg6[%dma_start3A_111, %dma_start3A_123, %dma_start3A_124] : memref<6x128x128xf32, #tpu.memory_space<vmem>> -> memref<1x128x128xf32, #tpu.memory_space<vmem>>
    %dma_start3A_126 = tpu.memref_squeeze %dma_start3A_125 : memref<1x128x128xf32, #tpu.memory_space<vmem>> -> memref<128x128xf32, #tpu.memory_space<vmem>>
    tpu.enqueue_dma source(%dma_start3A_126 : memref<128x128xf32, #tpu.memory_space<vmem>>) target(%dma_start3A_122 : memref<128x128xf32, #tpu.memory_space<hbm>>) target_semaphore(%dma_start3A_120 : memref<!tpu.dma_semaphore, #tpu.memory_space<semaphore_mem>>)
    %dma_start3A_127 = arith.constant 4 : i32
    %dma_start3A_128 = arith.constant 4 : i32
    %dma_start3A_129 = arith.constant 0 : i32
    %dma_start3A_130 = arith.constant 0 : i32
    %dma_start3A_131 = tpu.memref_slice %arg6[%dma_start3A_127, %dma_start3A_129, %dma_start3A_130] : memref<6x128x128xf32, #tpu.memory_space<vmem>> -> memref<1x128x128xf32, #tpu.memory_space<vmem>>
    %dma_start3A_132 = tpu.memref_squeeze %dma_start3A_131 : memref<1x128x128xf32, #tpu.memory_space<vmem>> -> memref<128x128xf32, #tpu.memory_space<vmem>>
    %dma_start3A_133 = arith.constant 512 : i32
    %dma_start3A_134 = tpu.memref_slice %arg5[%dma_start3A_133] : memref<32640xi32, #tpu.memory_space<vmem>> -> memref<128xi32, #tpu.memory_space<vmem>>
    %dma_start3A_135 = arith.constant 0 : i32
    %dma_start3A_136 = arith.constant 0 : i32
    %dma_start3A_137 = tpu.memref_slice %arg2[%dma_start3A_135, %dma_start3A_136] : memref<32770x128xf32, #tpu.memory_space<hbm>> -> memref<32770x128xf32, #tpu.memory_space<hbm>>
    %dma_start3A_138 = tpu.memref_slice %arg7[%dma_start3A_128] : memref<6x!tpu.dma_semaphore, #tpu.memory_space<semaphore_mem>> -> memref<1x!tpu.dma_semaphore, #tpu.memory_space<semaphore_mem>>
    %dma_start3A_139 = tpu.memref_squeeze %dma_start3A_138 : memref<1x!tpu.dma_semaphore, #tpu.memory_space<semaphore_mem>> -> memref<!tpu.dma_semaphore, #tpu.memory_space<semaphore_mem>>
    tpu.enqueue_indirect_dma source(%dma_start3A_137 : memref<32770x128xf32, #tpu.memory_space<hbm>>) target(%dma_start3A_132 : memref<128x128xf32, #tpu.memory_space<vmem>>) offsets(%dma_start3A_134 : memref<128xi32, #tpu.memory_space<vmem>>) semaphore(%dma_start3A_139 : memref<!tpu.dma_semaphore, #tpu.memory_space<semaphore_mem>>)
    %dma_wait3A_140 = arith.constant 2 : i32
    %dma_wait3A_141 = arith.constant 2 : i32
    %dma_wait3A_142 = arith.constant 0 : i32
    %dma_wait3A_143 = arith.constant 0 : i32
    %dma_wait3A_144 = tpu.memref_slice %arg6[%dma_wait3A_140, %dma_wait3A_142, %dma_wait3A_143] : memref<6x128x128xf32, #tpu.memory_space<vmem>> -> memref<1x128x128xf32, #tpu.memory_space<vmem>>
    %dma_wait3A_145 = tpu.memref_squeeze %dma_wait3A_144 : memref<1x128x128xf32, #tpu.memory_space<vmem>> -> memref<128x128xf32, #tpu.memory_space<vmem>>
    %dma_wait3A_146 = arith.constant 0 : i32
    %dma_wait3A_147 = arith.constant 0 : i32
    %dma_wait3A_148 = tpu.memref_slice %arg2[%dma_wait3A_146, %dma_wait3A_147] : memref<32770x128xf32, #tpu.memory_space<hbm>> -> memref<128x128xf32, #tpu.memory_space<hbm>>
    %dma_wait3A_149 = tpu.memref_slice %arg7[%dma_wait3A_141] : memref<6x!tpu.dma_semaphore, #tpu.memory_space<semaphore_mem>> -> memref<1x!tpu.dma_semaphore, #tpu.memory_space<semaphore_mem>>
    %dma_wait3A_150 = tpu.memref_squeeze %dma_wait3A_149 : memref<1x!tpu.dma_semaphore, #tpu.memory_space<semaphore_mem>> -> memref<!tpu.dma_semaphore, #tpu.memory_space<semaphore_mem>>
    %dma_wait3A_151 = arith.constant 0 : i32
    %dma_wait3A_152 = arith.constant 0 : i32
    %dma_wait3A_153 = tpu.memref_slice %arg6[%dma_wait3A_140, %dma_wait3A_151, %dma_wait3A_152] : memref<6x128x128xf32, #tpu.memory_space<vmem>> -> memref<1x128x128xf32, #tpu.memory_space<vmem>>
    %dma_wait3A_154 = tpu.memref_squeeze %dma_wait3A_153 : memref<1x128x128xf32, #tpu.memory_space<vmem>> -> memref<128x128xf32, #tpu.memory_space<vmem>>
    %dma_wait3A_155 = arith.constant 0 : i32
    %dma_wait3A_156 = arith.constant 0 : i32
    %dma_wait3A_157 = tpu.memref_slice %arg2[%dma_wait3A_155, %dma_wait3A_156] : memref<32770x128xf32, #tpu.memory_space<hbm>> -> memref<128x128xf32, #tpu.memory_space<hbm>>
    tpu.wait_dma2 semaphore(%dma_wait3A_150 : memref<!tpu.dma_semaphore, #tpu.memory_space<semaphore_mem>>) src(%dma_wait3A_157 : memref<128x128xf32, #tpu.memory_space<hbm>>) dst(%dma_wait3A_154 : memref<128x128xf32, #tpu.memory_space<vmem>>)
    %add3A_158 = arith.constant 256 : i32
    %add3A_159 = arith.addi %mul3A_2, %add3A_158 : i32
    %dma_start3A_160 = arith.constant 2 : i32
    %dma_start3A_161 = arith.constant 2 : i32
    %dma_start3A_162 = arith.constant 0 : i32
    %dma_start3A_163 = arith.constant 0 : i32
    %dma_start3A_164 = tpu.memref_slice %arg6[%dma_start3A_160, %dma_start3A_162, %dma_start3A_163] : memref<6x128x128xf32, #tpu.memory_space<vmem>> -> memref<1x128x128xf32, #tpu.memory_space<vmem>>
    %dma_start3A_165 = tpu.memref_squeeze %dma_start3A_164 : memref<1x128x128xf32, #tpu.memory_space<vmem>> -> memref<128x128xf32, #tpu.memory_space<vmem>>
    %dma_start3A_166 = arith.constant 0 : i32
    %dma_start3A_167 = tpu.memref_slice %arg4[%add3A_159, %dma_start3A_166] : memref<1048576x128xf32, #tpu.memory_space<hbm>> -> memref<128x128xf32, #tpu.memory_space<hbm>>
    %dma_start3A_168 = tpu.memref_slice %arg8[%dma_start3A_161] : memref<6x!tpu.dma_semaphore, #tpu.memory_space<semaphore_mem>> -> memref<1x!tpu.dma_semaphore, #tpu.memory_space<semaphore_mem>>
    %dma_start3A_169 = tpu.memref_squeeze %dma_start3A_168 : memref<1x!tpu.dma_semaphore, #tpu.memory_space<semaphore_mem>> -> memref<!tpu.dma_semaphore, #tpu.memory_space<semaphore_mem>>
    %dma_start3A_170 = arith.constant 0 : i32
    %dma_start3A_171 = tpu.memref_slice %arg4[%add3A_159, %dma_start3A_170] : memref<1048576x128xf32, #tpu.memory_space<hbm>> -> memref<128x128xf32, #tpu.memory_space<hbm>>
    %dma_start3A_172 = arith.constant 0 : i32
    %dma_start3A_173 = arith.constant 0 : i32
    %dma_start3A_174 = tpu.memref_slice %arg6[%dma_start3A_160, %dma_start3A_172, %dma_start3A_173] : memref<6x128x128xf32, #tpu.memory_space<vmem>> -> memref<1x128x128xf32, #tpu.memory_space<vmem>>
    %dma_start3A_175 = tpu.memref_squeeze %dma_start3A_174 : memref<1x128x128xf32, #tpu.memory_space<vmem>> -> memref<128x128xf32, #tpu.memory_space<vmem>>
    tpu.enqueue_dma source(%dma_start3A_175 : memref<128x128xf32, #tpu.memory_space<vmem>>) target(%dma_start3A_171 : memref<128x128xf32, #tpu.memory_space<hbm>>) target_semaphore(%dma_start3A_169 : memref<!tpu.dma_semaphore, #tpu.memory_space<semaphore_mem>>)
    %dma_start3A_176 = arith.constant 5 : i32
    %dma_start3A_177 = arith.constant 5 : i32
    %dma_start3A_178 = arith.constant 0 : i32
    %dma_start3A_179 = arith.constant 0 : i32
    %dma_start3A_180 = tpu.memref_slice %arg6[%dma_start3A_176, %dma_start3A_178, %dma_start3A_179] : memref<6x128x128xf32, #tpu.memory_space<vmem>> -> memref<1x128x128xf32, #tpu.memory_space<vmem>>
    %dma_start3A_181 = tpu.memref_squeeze %dma_start3A_180 : memref<1x128x128xf32, #tpu.memory_space<vmem>> -> memref<128x128xf32, #tpu.memory_space<vmem>>
    %dma_start3A_182 = arith.constant 640 : i32
    %dma_start3A_183 = tpu.memref_slice %arg5[%dma_start3A_182] : memref<32640xi32, #tpu.memory_space<vmem>> -> memref<128xi32, #tpu.memory_space<vmem>>
    %dma_start3A_184 = arith.constant 0 : i32
    %dma_start3A_185 = arith.constant 0 : i32
    %dma_start3A_186 = tpu.memref_slice %arg2[%dma_start3A_184, %dma_start3A_185] : memref<32770x128xf32, #tpu.memory_space<hbm>> -> memref<32770x128xf32, #tpu.memory_space<hbm>>
    %dma_start3A_187 = tpu.memref_slice %arg7[%dma_start3A_177] : memref<6x!tpu.dma_semaphore, #tpu.memory_space<semaphore_mem>> -> memref<1x!tpu.dma_semaphore, #tpu.memory_space<semaphore_mem>>
    %dma_start3A_188 = tpu.memref_squeeze %dma_start3A_187 : memref<1x!tpu.dma_semaphore, #tpu.memory_space<semaphore_mem>> -> memref<!tpu.dma_semaphore, #tpu.memory_space<semaphore_mem>>
    tpu.enqueue_indirect_dma source(%dma_start3A_186 : memref<32770x128xf32, #tpu.memory_space<hbm>>) target(%dma_start3A_181 : memref<128x128xf32, #tpu.memory_space<vmem>>) offsets(%dma_start3A_183 : memref<128xi32, #tpu.memory_space<vmem>>) semaphore(%dma_start3A_188 : memref<!tpu.dma_semaphore, #tpu.memory_space<semaphore_mem>>)
    %scan3A = arith.constant 0 : i32
    %scan3A_189 = arith.constant 41 : i32
    %scan3A_190 = arith.addi %scan3A, %scan3A_189 : i32
    %scan3A_191 = arith.constant 1 : i32
    scf.for %scan3A_657 = %scan3A to %scan3A_190 step %scan3A_191  : i32 {
      %mul3A_658 = arith.constant 6 : i32
      %mul3A_659 = arith.muli %scan3A_657, %mul3A_658 : i32
      %add3A_660 = arith.constant 3 : i32
      %add3A_661 = arith.addi %add3A_660, %mul3A_659 : i32
      %add3A_662 = arith.constant 0 : i32
      %add3A_663 = arith.addi %add3A_661, %add3A_662 : i32
      %dma_wait3A_664 = arith.constant 3 : i32
      %dma_wait3A_665 = arith.constant 3 : i32
      %dma_wait3A_666 = arith.constant 0 : i32
      %dma_wait3A_667 = arith.constant 0 : i32
      %dma_wait3A_668 = tpu.memref_slice %arg6[%dma_wait3A_664, %dma_wait3A_666, %dma_wait3A_667] : memref<6x128x128xf32, #tpu.memory_space<vmem>> -> memref<1x128x128xf32, #tpu.memory_space<vmem>>
      %dma_wait3A_669 = tpu.memref_squeeze %dma_wait3A_668 : memref<1x128x128xf32, #tpu.memory_space<vmem>> -> memref<128x128xf32, #tpu.memory_space<vmem>>
      %dma_wait3A_670 = arith.constant 0 : i32
      %dma_wait3A_671 = arith.constant 0 : i32
      %dma_wait3A_672 = tpu.memref_slice %arg2[%dma_wait3A_670, %dma_wait3A_671] : memref<32770x128xf32, #tpu.memory_space<hbm>> -> memref<128x128xf32, #tpu.memory_space<hbm>>
      %dma_wait3A_673 = tpu.memref_slice %arg7[%dma_wait3A_665] : memref<6x!tpu.dma_semaphore, #tpu.memory_space<semaphore_mem>> -> memref<1x!tpu.dma_semaphore, #tpu.memory_space<semaphore_mem>>
      %dma_wait3A_674 = tpu.memref_squeeze %dma_wait3A_673 : memref<1x!tpu.dma_semaphore, #tpu.memory_space<semaphore_mem>> -> memref<!tpu.dma_semaphore, #tpu.memory_space<semaphore_mem>>
      %dma_wait3A_675 = arith.constant 0 : i32
      %dma_wait3A_676 = arith.constant 0 : i32
      %dma_wait3A_677 = tpu.memref_slice %arg6[%dma_wait3A_664, %dma_wait3A_675, %dma_wait3A_676] : memref<6x128x128xf32, #tpu.memory_space<vmem>> -> memref<1x128x128xf32, #tpu.memory_space<vmem>>
      %dma_wait3A_678 = tpu.memref_squeeze %dma_wait3A_677 : memref<1x128x128xf32, #tpu.memory_space<vmem>> -> memref<128x128xf32, #tpu.memory_space<vmem>>
      %dma_wait3A_679 = arith.constant 0 : i32
      %dma_wait3A_680 = arith.constant 0 : i32
      %dma_wait3A_681 = tpu.memref_slice %arg2[%dma_wait3A_679, %dma_wait3A_680] : memref<32770x128xf32, #tpu.memory_space<hbm>> -> memref<128x128xf32, #tpu.memory_space<hbm>>
      tpu.wait_dma2 semaphore(%dma_wait3A_674 : memref<!tpu.dma_semaphore, #tpu.memory_space<semaphore_mem>>) src(%dma_wait3A_681 : memref<128x128xf32, #tpu.memory_space<hbm>>) dst(%dma_wait3A_678 : memref<128x128xf32, #tpu.memory_space<vmem>>)
      %mul3A_682 = arith.constant 128 : i32
      %mul3A_683 = arith.muli %add3A_663, %mul3A_682 : i32
      %add3A_684 = arith.addi %mul3A_2, %mul3A_683 : i32
      %dma_start3A_685 = arith.constant 3 : i32
      %dma_start3A_686 = arith.constant 3 : i32
      %dma_start3A_687 = arith.constant 0 : i32
      %dma_start3A_688 = arith.constant 0 : i32
      %dma_start3A_689 = tpu.memref_slice %arg6[%dma_start3A_685, %dma_start3A_687, %dma_start3A_688] : memref<6x128x128xf32, #tpu.memory_space<vmem>> -> memref<1x128x128xf32, #tpu.memory_space<vmem>>
      %dma_start3A_690 = tpu.memref_squeeze %dma_start3A_689 : memref<1x128x128xf32, #tpu.memory_space<vmem>> -> memref<128x128xf32, #tpu.memory_space<vmem>>
      %dma_start3A_691 = arith.constant 0 : i32
      %dma_start3A_692 = tpu.memref_slice %arg4[%add3A_684, %dma_start3A_691] : memref<1048576x128xf32, #tpu.memory_space<hbm>> -> memref<128x128xf32, #tpu.memory_space<hbm>>
      %dma_start3A_693 = tpu.memref_slice %arg8[%dma_start3A_686] : memref<6x!tpu.dma_semaphore, #tpu.memory_space<semaphore_mem>> -> memref<1x!tpu.dma_semaphore, #tpu.memory_space<semaphore_mem>>
      %dma_start3A_694 = tpu.memref_squeeze %dma_start3A_693 : memref<1x!tpu.dma_semaphore, #tpu.memory_space<semaphore_mem>> -> memref<!tpu.dma_semaphore, #tpu.memory_space<semaphore_mem>>
      %dma_start3A_695 = arith.constant 0 : i32
      %dma_start3A_696 = tpu.memref_slice %arg4[%add3A_684, %dma_start3A_695] : memref<1048576x128xf32, #tpu.memory_space<hbm>> -> memref<128x128xf32, #tpu.memory_space<hbm>>
      %dma_start3A_697 = arith.constant 0 : i32
      %dma_start3A_698 = arith.constant 0 : i32
      %dma_start3A_699 = tpu.memref_slice %arg6[%dma_start3A_685, %dma_start3A_697, %dma_start3A_698] : memref<6x128x128xf32, #tpu.memory_space<vmem>> -> memref<1x128x128xf32, #tpu.memory_space<vmem>>
      %dma_start3A_700 = tpu.memref_squeeze %dma_start3A_699 : memref<1x128x128xf32, #tpu.memory_space<vmem>> -> memref<128x128xf32, #tpu.memory_space<vmem>>
      tpu.enqueue_dma source(%dma_start3A_700 : memref<128x128xf32, #tpu.memory_space<vmem>>) target(%dma_start3A_696 : memref<128x128xf32, #tpu.memory_space<hbm>>) target_semaphore(%dma_start3A_694 : memref<!tpu.dma_semaphore, #tpu.memory_space<semaphore_mem>>)
      %dma_wait3A_701 = arith.constant 0 : i32
      %dma_wait3A_702 = arith.constant 0 : i32
      %dma_wait3A_703 = arith.constant 0 : i32
      %dma_wait3A_704 = arith.constant 0 : i32
      %dma_wait3A_705 = tpu.memref_slice %arg6[%dma_wait3A_701, %dma_wait3A_703, %dma_wait3A_704] : memref<6x128x128xf32, #tpu.memory_space<vmem>> -> memref<1x128x128xf32, #tpu.memory_space<vmem>>
      %dma_wait3A_706 = tpu.memref_squeeze %dma_wait3A_705 : memref<1x128x128xf32, #tpu.memory_space<vmem>> -> memref<128x128xf32, #tpu.memory_space<vmem>>
      %dma_wait3A_707 = arith.constant 0 : i32
      %dma_wait3A_708 = tpu.memref_slice %arg4[%mul3A_2, %dma_wait3A_707] : memref<1048576x128xf32, #tpu.memory_space<hbm>> -> memref<128x128xf32, #tpu.memory_space<hbm>>
      %dma_wait3A_709 = tpu.memref_slice %arg8[%dma_wait3A_702] : memref<6x!tpu.dma_semaphore, #tpu.memory_space<semaphore_mem>> -> memref<1x!tpu.dma_semaphore, #tpu.memory_space<semaphore_mem>>
      %dma_wait3A_710 = tpu.memref_squeeze %dma_wait3A_709 : memref<1x!tpu.dma_semaphore, #tpu.memory_space<semaphore_mem>> -> memref<!tpu.dma_semaphore, #tpu.memory_space<semaphore_mem>>
      %dma_wait3A_711 = arith.constant 0 : i32
      %dma_wait3A_712 = tpu.memref_slice %arg4[%mul3A_2, %dma_wait3A_711] : memref<1048576x128xf32, #tpu.memory_space<hbm>> -> memref<128x128xf32, #tpu.memory_space<hbm>>
      %dma_wait3A_713 = arith.constant 0 : i32
      %dma_wait3A_714 = arith.constant 0 : i32
      %dma_wait3A_715 = tpu.memref_slice %arg6[%dma_wait3A_701, %dma_wait3A_713, %dma_wait3A_714] : memref<6x128x128xf32, #tpu.memory_space<vmem>> -> memref<1x128x128xf32, #tpu.memory_space<vmem>>
      %dma_wait3A_716 = tpu.memref_squeeze %dma_wait3A_715 : memref<1x128x128xf32, #tpu.memory_space<vmem>> -> memref<128x128xf32, #tpu.memory_space<vmem>>
      tpu.wait_dma2 semaphore(%dma_wait3A_710 : memref<!tpu.dma_semaphore, #tpu.memory_space<semaphore_mem>>) src(%dma_wait3A_716 : memref<128x128xf32, #tpu.memory_space<vmem>>) dst(%dma_wait3A_712 : memref<128x128xf32, #tpu.memory_space<hbm>>)
      %add3A_717 = arith.constant 3 : i32
      %add3A_718 = arith.addi %add3A_663, %add3A_717 : i32
      %add3A_719 = arith.constant 3 : i32
      %add3A_720 = arith.addi %add3A_663, %add3A_719 : i32
      %mul3A_721 = arith.constant 128 : i32
      %mul3A_722 = arith.muli %add3A_720, %mul3A_721 : i32
      %add3A_723 = arith.constant 0 : i32
      %add3A_724 = arith.addi %mul3A_722, %add3A_723 : i32
      %dma_start3A_725 = arith.constant 0 : i32
      %dma_start3A_726 = arith.constant 0 : i32
      %dma_start3A_727 = arith.constant 0 : i32
      %dma_start3A_728 = arith.constant 0 : i32
      %dma_start3A_729 = tpu.memref_slice %arg6[%dma_start3A_725, %dma_start3A_727, %dma_start3A_728] : memref<6x128x128xf32, #tpu.memory_space<vmem>> -> memref<1x128x128xf32, #tpu.memory_space<vmem>>
      %dma_start3A_730 = tpu.memref_squeeze %dma_start3A_729 : memref<1x128x128xf32, #tpu.memory_space<vmem>> -> memref<128x128xf32, #tpu.memory_space<vmem>>
      %dma_start3A_731 = tpu.memref_slice %arg5[%add3A_724] : memref<32640xi32, #tpu.memory_space<vmem>> -> memref<128xi32, #tpu.memory_space<vmem>>
      %dma_start3A_732 = arith.constant 0 : i32
      %dma_start3A_733 = arith.constant 0 : i32
      %dma_start3A_734 = tpu.memref_slice %arg2[%dma_start3A_732, %dma_start3A_733] : memref<32770x128xf32, #tpu.memory_space<hbm>> -> memref<32770x128xf32, #tpu.memory_space<hbm>>
      %dma_start3A_735 = tpu.memref_slice %arg7[%dma_start3A_726] : memref<6x!tpu.dma_semaphore, #tpu.memory_space<semaphore_mem>> -> memref<1x!tpu.dma_semaphore, #tpu.memory_space<semaphore_mem>>
      %dma_start3A_736 = tpu.memref_squeeze %dma_start3A_735 : memref<1x!tpu.dma_semaphore, #tpu.memory_space<semaphore_mem>> -> memref<!tpu.dma_semaphore, #tpu.memory_space<semaphore_mem>>
      tpu.enqueue_indirect_dma source(%dma_start3A_734 : memref<32770x128xf32, #tpu.memory_space<hbm>>) target(%dma_start3A_730 : memref<128x128xf32, #tpu.memory_space<vmem>>) offsets(%dma_start3A_731 : memref<128xi32, #tpu.memory_space<vmem>>) semaphore(%dma_start3A_736 : memref<!tpu.dma_semaphore, #tpu.memory_space<semaphore_mem>>)
      %add3A_737 = arith.constant 1 : i32
      %add3A_738 = arith.addi %add3A_661, %add3A_737 : i32
      %dma_wait3A_739 = arith.constant 4 : i32
      %dma_wait3A_740 = arith.constant 4 : i32
      %dma_wait3A_741 = arith.constant 0 : i32
      %dma_wait3A_742 = arith.constant 0 : i32
      %dma_wait3A_743 = tpu.memref_slice %arg6[%dma_wait3A_739, %dma_wait3A_741, %dma_wait3A_742] : memref<6x128x128xf32, #tpu.memory_space<vmem>> -> memref<1x128x128xf32, #tpu.memory_space<vmem>>
      %dma_wait3A_744 = tpu.memref_squeeze %dma_wait3A_743 : memref<1x128x128xf32, #tpu.memory_space<vmem>> -> memref<128x128xf32, #tpu.memory_space<vmem>>
      %dma_wait3A_745 = arith.constant 0 : i32
      %dma_wait3A_746 = arith.constant 0 : i32
      %dma_wait3A_747 = tpu.memref_slice %arg2[%dma_wait3A_745, %dma_wait3A_746] : memref<32770x128xf32, #tpu.memory_space<hbm>> -> memref<128x128xf32, #tpu.memory_space<hbm>>
      %dma_wait3A_748 = tpu.memref_slice %arg7[%dma_wait3A_740] : memref<6x!tpu.dma_semaphore, #tpu.memory_space<semaphore_mem>> -> memref<1x!tpu.dma_semaphore, #tpu.memory_space<semaphore_mem>>
      %dma_wait3A_749 = tpu.memref_squeeze %dma_wait3A_748 : memref<1x!tpu.dma_semaphore, #tpu.memory_space<semaphore_mem>> -> memref<!tpu.dma_semaphore, #tpu.memory_space<semaphore_mem>>
      %dma_wait3A_750 = arith.constant 0 : i32
      %dma_wait3A_751 = arith.constant 0 : i32
      %dma_wait3A_752 = tpu.memref_slice %arg6[%dma_wait3A_739, %dma_wait3A_750, %dma_wait3A_751] : memref<6x128x128xf32, #tpu.memory_space<vmem>> -> memref<1x128x128xf32, #tpu.memory_space<vmem>>
      %dma_wait3A_753 = tpu.memref_squeeze %dma_wait3A_752 : memref<1x128x128xf32, #tpu.memory_space<vmem>> -> memref<128x128xf32, #tpu.memory_space<vmem>>
      %dma_wait3A_754 = arith.constant 0 : i32
      %dma_wait3A_755 = arith.constant 0 : i32
      %dma_wait3A_756 = tpu.memref_slice %arg2[%dma_wait3A_754, %dma_wait3A_755] : memref<32770x128xf32, #tpu.memory_space<hbm>> -> memref<128x128xf32, #tpu.memory_space<hbm>>
      tpu.wait_dma2 semaphore(%dma_wait3A_749 : memref<!tpu.dma_semaphore, #tpu.memory_space<semaphore_mem>>) src(%dma_wait3A_756 : memref<128x128xf32, #tpu.memory_space<hbm>>) dst(%dma_wait3A_753 : memref<128x128xf32, #tpu.memory_space<vmem>>)
      %mul3A_757 = arith.constant 128 : i32
      %mul3A_758 = arith.muli %add3A_738, %mul3A_757 : i32
      %add3A_759 = arith.addi %mul3A_2, %mul3A_758 : i32
      %dma_start3A_760 = arith.constant 4 : i32
      %dma_start3A_761 = arith.constant 4 : i32
      %dma_start3A_762 = arith.constant 0 : i32
      %dma_start3A_763 = arith.constant 0 : i32
      %dma_start3A_764 = tpu.memref_slice %arg6[%dma_start3A_760, %dma_start3A_762, %dma_start3A_763] : memref<6x128x128xf32, #tpu.memory_space<vmem>> -> memref<1x128x128xf32, #tpu.memory_space<vmem>>
      %dma_start3A_765 = tpu.memref_squeeze %dma_start3A_764 : memref<1x128x128xf32, #tpu.memory_space<vmem>> -> memref<128x128xf32, #tpu.memory_space<vmem>>
      %dma_start3A_766 = arith.constant 0 : i32
      %dma_start3A_767 = tpu.memref_slice %arg4[%add3A_759, %dma_start3A_766] : memref<1048576x128xf32, #tpu.memory_space<hbm>> -> memref<128x128xf32, #tpu.memory_space<hbm>>
      %dma_start3A_768 = tpu.memref_slice %arg8[%dma_start3A_761] : memref<6x!tpu.dma_semaphore, #tpu.memory_space<semaphore_mem>> -> memref<1x!tpu.dma_semaphore, #tpu.memory_space<semaphore_mem>>
      %dma_start3A_769 = tpu.memref_squeeze %dma_start3A_768 : memref<1x!tpu.dma_semaphore, #tpu.memory_space<semaphore_mem>> -> memref<!tpu.dma_semaphore, #tpu.memory_space<semaphore_mem>>
      %dma_start3A_770 = arith.constant 0 : i32
      %dma_start3A_771 = tpu.memref_slice %arg4[%add3A_759, %dma_start3A_770] : memref<1048576x128xf32, #tpu.memory_space<hbm>> -> memref<128x128xf32, #tpu.memory_space<hbm>>
      %dma_start3A_772 = arith.constant 0 : i32
      %dma_start3A_773 = arith.constant 0 : i32
      %dma_start3A_774 = tpu.memref_slice %arg6[%dma_start3A_760, %dma_start3A_772, %dma_start3A_773] : memref<6x128x128xf32, #tpu.memory_space<vmem>> -> memref<1x128x128xf32, #tpu.memory_space<vmem>>
      %dma_start3A_775 = tpu.memref_squeeze %dma_start3A_774 : memref<1x128x128xf32, #tpu.memory_space<vmem>> -> memref<128x128xf32, #tpu.memory_space<vmem>>
      tpu.enqueue_dma source(%dma_start3A_775 : memref<128x128xf32, #tpu.memory_space<vmem>>) target(%dma_start3A_771 : memref<128x128xf32, #tpu.memory_space<hbm>>) target_semaphore(%dma_start3A_769 : memref<!tpu.dma_semaphore, #tpu.memory_space<semaphore_mem>>)
      %dma_wait3A_776 = arith.constant 1 : i32
      %dma_wait3A_777 = arith.constant 1 : i32
      %dma_wait3A_778 = arith.constant 0 : i32
      %dma_wait3A_779 = arith.constant 0 : i32
      %dma_wait3A_780 = tpu.memref_slice %arg6[%dma_wait3A_776, %dma_wait3A_778, %dma_wait3A_779] : memref<6x128x128xf32, #tpu.memory_space<vmem>> -> memref<1x128x128xf32, #tpu.memory_space<vmem>>
      %dma_wait3A_781 = tpu.memref_squeeze %dma_wait3A_780 : memref<1x128x128xf32, #tpu.memory_space<vmem>> -> memref<128x128xf32, #tpu.memory_space<vmem>>
      %dma_wait3A_782 = arith.constant 0 : i32
      %dma_wait3A_783 = tpu.memref_slice %arg4[%mul3A_2, %dma_wait3A_782] : memref<1048576x128xf32, #tpu.memory_space<hbm>> -> memref<128x128xf32, #tpu.memory_space<hbm>>
      %dma_wait3A_784 = tpu.memref_slice %arg8[%dma_wait3A_777] : memref<6x!tpu.dma_semaphore, #tpu.memory_space<semaphore_mem>> -> memref<1x!tpu.dma_semaphore, #tpu.memory_space<semaphore_mem>>
      %dma_wait3A_785 = tpu.memref_squeeze %dma_wait3A_784 : memref<1x!tpu.dma_semaphore, #tpu.memory_space<semaphore_mem>> -> memref<!tpu.dma_semaphore, #tpu.memory_space<semaphore_mem>>
      %dma_wait3A_786 = arith.constant 0 : i32
      %dma_wait3A_787 = tpu.memref_slice %arg4[%mul3A_2, %dma_wait3A_786] : memref<1048576x128xf32, #tpu.memory_space<hbm>> -> memref<128x128xf32, #tpu.memory_space<hbm>>
      %dma_wait3A_788 = arith.constant 0 : i32
      %dma_wait3A_789 = arith.constant 0 : i32
      %dma_wait3A_790 = tpu.memref_slice %arg6[%dma_wait3A_776, %dma_wait3A_788, %dma_wait3A_789] : memref<6x128x128xf32, #tpu.memory_space<vmem>> -> memref<1x128x128xf32, #tpu.memory_space<vmem>>
      %dma_wait3A_791 = tpu.memref_squeeze %dma_wait3A_790 : memref<1x128x128xf32, #tpu.memory_space<vmem>> -> memref<128x128xf32, #tpu.memory_space<vmem>>
      tpu.wait_dma2 semaphore(%dma_wait3A_785 : memref<!tpu.dma_semaphore, #tpu.memory_space<semaphore_mem>>) src(%dma_wait3A_791 : memref<128x128xf32, #tpu.memory_space<vmem>>) dst(%dma_wait3A_787 : memref<128x128xf32, #tpu.memory_space<hbm>>)
      %add3A_792 = arith.constant 3 : i32
      %add3A_793 = arith.addi %add3A_738, %add3A_792 : i32
      %add3A_794 = arith.constant 3 : i32
      %add3A_795 = arith.addi %add3A_738, %add3A_794 : i32
      %mul3A_796 = arith.constant 128 : i32
      %mul3A_797 = arith.muli %add3A_795, %mul3A_796 : i32
      %add3A_798 = arith.constant 0 : i32
      %add3A_799 = arith.addi %mul3A_797, %add3A_798 : i32
      %dma_start3A_800 = arith.constant 1 : i32
      %dma_start3A_801 = arith.constant 1 : i32
      %dma_start3A_802 = arith.constant 0 : i32
      %dma_start3A_803 = arith.constant 0 : i32
      %dma_start3A_804 = tpu.memref_slice %arg6[%dma_start3A_800, %dma_start3A_802, %dma_start3A_803] : memref<6x128x128xf32, #tpu.memory_space<vmem>> -> memref<1x128x128xf32, #tpu.memory_space<vmem>>
      %dma_start3A_805 = tpu.memref_squeeze %dma_start3A_804 : memref<1x128x128xf32, #tpu.memory_space<vmem>> -> memref<128x128xf32, #tpu.memory_space<vmem>>
      %dma_start3A_806 = tpu.memref_slice %arg5[%add3A_799] : memref<32640xi32, #tpu.memory_space<vmem>> -> memref<128xi32, #tpu.memory_space<vmem>>
      %dma_start3A_807 = arith.constant 0 : i32
      %dma_start3A_808 = arith.constant 0 : i32
      %dma_start3A_809 = tpu.memref_slice %arg2[%dma_start3A_807, %dma_start3A_808] : memref<32770x128xf32, #tpu.memory_space<hbm>> -> memref<32770x128xf32, #tpu.memory_space<hbm>>
      %dma_start3A_810 = tpu.memref_slice %arg7[%dma_start3A_801] : memref<6x!tpu.dma_semaphore, #tpu.memory_space<semaphore_mem>> -> memref<1x!tpu.dma_semaphore, #tpu.memory_space<semaphore_mem>>
      %dma_start3A_811 = tpu.memref_squeeze %dma_start3A_810 : memref<1x!tpu.dma_semaphore, #tpu.memory_space<semaphore_mem>> -> memref<!tpu.dma_semaphore, #tpu.memory_space<semaphore_mem>>
      tpu.enqueue_indirect_dma source(%dma_start3A_809 : memref<32770x128xf32, #tpu.memory_space<hbm>>) target(%dma_start3A_805 : memref<128x128xf32, #tpu.memory_space<vmem>>) offsets(%dma_start3A_806 : memref<128xi32, #tpu.memory_space<vmem>>) semaphore(%dma_start3A_811 : memref<!tpu.dma_semaphore, #tpu.memory_space<semaphore_mem>>)
      %add3A_812 = arith.constant 2 : i32
      %add3A_813 = arith.addi %add3A_661, %add3A_812 : i32
      %dma_wait3A_814 = arith.constant 5 : i32
      %dma_wait3A_815 = arith.constant 5 : i32
      %dma_wait3A_816 = arith.constant 0 : i32
      %dma_wait3A_817 = arith.constant 0 : i32
      %dma_wait3A_818 = tpu.memref_slice %arg6[%dma_wait3A_814, %dma_wait3A_816, %dma_wait3A_817] : memref<6x128x128xf32, #tpu.memory_space<vmem>> -> memref<1x128x128xf32, #tpu.memory_space<vmem>>
      %dma_wait3A_819 = tpu.memref_squeeze %dma_wait3A_818 : memref<1x128x128xf32, #tpu.memory_space<vmem>> -> memref<128x128xf32, #tpu.memory_space<vmem>>
      %dma_wait3A_820 = arith.constant 0 : i32
      %dma_wait3A_821 = arith.constant 0 : i32
      %dma_wait3A_822 = tpu.memref_slice %arg2[%dma_wait3A_820, %dma_wait3A_821] : memref<32770x128xf32, #tpu.memory_space<hbm>> -> memref<128x128xf32, #tpu.memory_space<hbm>>
      %dma_wait3A_823 = tpu.memref_slice %arg7[%dma_wait3A_815] : memref<6x!tpu.dma_semaphore, #tpu.memory_space<semaphore_mem>> -> memref<1x!tpu.dma_semaphore, #tpu.memory_space<semaphore_mem>>
      %dma_wait3A_824 = tpu.memref_squeeze %dma_wait3A_823 : memref<1x!tpu.dma_semaphore, #tpu.memory_space<semaphore_mem>> -> memref<!tpu.dma_semaphore, #tpu.memory_space<semaphore_mem>>
      %dma_wait3A_825 = arith.constant 0 : i32
      %dma_wait3A_826 = arith.constant 0 : i32
      %dma_wait3A_827 = tpu.memref_slice %arg6[%dma_wait3A_814, %dma_wait3A_825, %dma_wait3A_826] : memref<6x128x128xf32, #tpu.memory_space<vmem>> -> memref<1x128x128xf32, #tpu.memory_space<vmem>>
      %dma_wait3A_828 = tpu.memref_squeeze %dma_wait3A_827 : memref<1x128x128xf32, #tpu.memory_space<vmem>> -> memref<128x128xf32, #tpu.memory_space<vmem>>
      %dma_wait3A_829 = arith.constant 0 : i32
      %dma_wait3A_830 = arith.constant 0 : i32
      %dma_wait3A_831 = tpu.memref_slice %arg2[%dma_wait3A_829, %dma_wait3A_830] : memref<32770x128xf32, #tpu.memory_space<hbm>> -> memref<128x128xf32, #tpu.memory_space<hbm>>
      tpu.wait_dma2 semaphore(%dma_wait3A_824 : memref<!tpu.dma_semaphore, #tpu.memory_space<semaphore_mem>>) src(%dma_wait3A_831 : memref<128x128xf32, #tpu.memory_space<hbm>>) dst(%dma_wait3A_828 : memref<128x128xf32, #tpu.memory_space<vmem>>)
      %mul3A_832 = arith.constant 128 : i32
      %mul3A_833 = arith.muli %add3A_813, %mul3A_832 : i32
      %add3A_834 = arith.addi %mul3A_2, %mul3A_833 : i32
      %dma_start3A_835 = arith.constant 5 : i32
      %dma_start3A_836 = arith.constant 5 : i32
      %dma_start3A_837 = arith.constant 0 : i32
      %dma_start3A_838 = arith.constant 0 : i32
      %dma_start3A_839 = tpu.memref_slice %arg6[%dma_start3A_835, %dma_start3A_837, %dma_start3A_838] : memref<6x128x128xf32, #tpu.memory_space<vmem>> -> memref<1x128x128xf32, #tpu.memory_space<vmem>>
      %dma_start3A_840 = tpu.memref_squeeze %dma_start3A_839 : memref<1x128x128xf32, #tpu.memory_space<vmem>> -> memref<128x128xf32, #tpu.memory_space<vmem>>
      %dma_start3A_841 = arith.constant 0 : i32
      %dma_start3A_842 = tpu.memref_slice %arg4[%add3A_834, %dma_start3A_841] : memref<1048576x128xf32, #tpu.memory_space<hbm>> -> memref<128x128xf32, #tpu.memory_space<hbm>>
      %dma_start3A_843 = tpu.memref_slice %arg8[%dma_start3A_836] : memref<6x!tpu.dma_semaphore, #tpu.memory_space<semaphore_mem>> -> memref<1x!tpu.dma_semaphore, #tpu.memory_space<semaphore_mem>>
      %dma_start3A_844 = tpu.memref_squeeze %dma_start3A_843 : memref<1x!tpu.dma_semaphore, #tpu.memory_space<semaphore_mem>> -> memref<!tpu.dma_semaphore, #tpu.memory_space<semaphore_mem>>
      %dma_start3A_845 = arith.constant 0 : i32
      %dma_start3A_846 = tpu.memref_slice %arg4[%add3A_834, %dma_start3A_845] : memref<1048576x128xf32, #tpu.memory_space<hbm>> -> memref<128x128xf32, #tpu.memory_space<hbm>>
      %dma_start3A_847 = arith.constant 0 : i32
      %dma_start3A_848 = arith.constant 0 : i32
      %dma_start3A_849 = tpu.memref_slice %arg6[%dma_start3A_835, %dma_start3A_847, %dma_start3A_848] : memref<6x128x128xf32, #tpu.memory_space<vmem>> -> memref<1x128x128xf32, #tpu.memory_space<vmem>>
      %dma_start3A_850 = tpu.memref_squeeze %dma_start3A_849 : memref<1x128x128xf32, #tpu.memory_space<vmem>> -> memref<128x128xf32, #tpu.memory_space<vmem>>
      tpu.enqueue_dma source(%dma_start3A_850 : memref<128x128xf32, #tpu.memory_space<vmem>>) target(%dma_start3A_846 : memref<128x128xf32, #tpu.memory_space<hbm>>) target_semaphore(%dma_start3A_844 : memref<!tpu.dma_semaphore, #tpu.memory_space<semaphore_mem>>)
      %dma_wait3A_851 = arith.constant 2 : i32
      %dma_wait3A_852 = arith.constant 2 : i32
      %dma_wait3A_853 = arith.constant 0 : i32
      %dma_wait3A_854 = arith.constant 0 : i32
      %dma_wait3A_855 = tpu.memref_slice %arg6[%dma_wait3A_851, %dma_wait3A_853, %dma_wait3A_854] : memref<6x128x128xf32, #tpu.memory_space<vmem>> -> memref<1x128x128xf32, #tpu.memory_space<vmem>>
      %dma_wait3A_856 = tpu.memref_squeeze %dma_wait3A_855 : memref<1x128x128xf32, #tpu.memory_space<vmem>> -> memref<128x128xf32, #tpu.memory_space<vmem>>
      %dma_wait3A_857 = arith.constant 0 : i32
      %dma_wait3A_858 = tpu.memref_slice %arg4[%mul3A_2, %dma_wait3A_857] : memref<1048576x128xf32, #tpu.memory_space<hbm>> -> memref<128x128xf32, #tpu.memory_space<hbm>>
      %dma_wait3A_859 = tpu.memref_slice %arg8[%dma_wait3A_852] : memref<6x!tpu.dma_semaphore, #tpu.memory_space<semaphore_mem>> -> memref<1x!tpu.dma_semaphore, #tpu.memory_space<semaphore_mem>>
      %dma_wait3A_860 = tpu.memref_squeeze %dma_wait3A_859 : memref<1x!tpu.dma_semaphore, #tpu.memory_space<semaphore_mem>> -> memref<!tpu.dma_semaphore, #tpu.memory_space<semaphore_mem>>
      %dma_wait3A_861 = arith.constant 0 : i32
      %dma_wait3A_862 = tpu.memref_slice %arg4[%mul3A_2, %dma_wait3A_861] : memref<1048576x128xf32, #tpu.memory_space<hbm>> -> memref<128x128xf32, #tpu.memory_space<hbm>>
      %dma_wait3A_863 = arith.constant 0 : i32
      %dma_wait3A_864 = arith.constant 0 : i32
      %dma_wait3A_865 = tpu.memref_slice %arg6[%dma_wait3A_851, %dma_wait3A_863, %dma_wait3A_864] : memref<6x128x128xf32, #tpu.memory_space<vmem>> -> memref<1x128x128xf32, #tpu.memory_space<vmem>>
      %dma_wait3A_866 = tpu.memref_squeeze %dma_wait3A_865 : memref<1x128x128xf32, #tpu.memory_space<vmem>> -> memref<128x128xf32, #tpu.memory_space<vmem>>
      tpu.wait_dma2 semaphore(%dma_wait3A_860 : memref<!tpu.dma_semaphore, #tpu.memory_space<semaphore_mem>>) src(%dma_wait3A_866 : memref<128x128xf32, #tpu.memory_space<vmem>>) dst(%dma_wait3A_862 : memref<128x128xf32, #tpu.memory_space<hbm>>)
      %add3A_867 = arith.constant 3 : i32
      %add3A_868 = arith.addi %add3A_813, %add3A_867 : i32
      %add3A_869 = arith.constant 3 : i32
      %add3A_870 = arith.addi %add3A_813, %add3A_869 : i32
      %mul3A_871 = arith.constant 128 : i32
      %mul3A_872 = arith.muli %add3A_870, %mul3A_871 : i32
      %add3A_873 = arith.constant 0 : i32
      %add3A_874 = arith.addi %mul3A_872, %add3A_873 : i32
      %dma_start3A_875 = arith.constant 2 : i32
      %dma_start3A_876 = arith.constant 2 : i32
      %dma_start3A_877 = arith.constant 0 : i32
      %dma_start3A_878 = arith.constant 0 : i32
      %dma_start3A_879 = tpu.memref_slice %arg6[%dma_start3A_875, %dma_start3A_877, %dma_start3A_878] : memref<6x128x128xf32, #tpu.memory_space<vmem>> -> memref<1x128x128xf32, #tpu.memory_space<vmem>>
      %dma_start3A_880 = tpu.memref_squeeze %dma_start3A_879 : memref<1x128x128xf32, #tpu.memory_space<vmem>> -> memref<128x128xf32, #tpu.memory_space<vmem>>
      %dma_start3A_881 = tpu.memref_slice %arg5[%add3A_874] : memref<32640xi32, #tpu.memory_space<vmem>> -> memref<128xi32, #tpu.memory_space<vmem>>
      %dma_start3A_882 = arith.constant 0 : i32
      %dma_start3A_883 = arith.constant 0 : i32
      %dma_start3A_884 = tpu.memref_slice %arg2[%dma_start3A_882, %dma_start3A_883] : memref<32770x128xf32, #tpu.memory_space<hbm>> -> memref<32770x128xf32, #tpu.memory_space<hbm>>
      %dma_start3A_885 = tpu.memref_slice %arg7[%dma_start3A_876] : memref<6x!tpu.dma_semaphore, #tpu.memory_space<semaphore_mem>> -> memref<1x!tpu.dma_semaphore, #tpu.memory_space<semaphore_mem>>
      %dma_start3A_886 = tpu.memref_squeeze %dma_start3A_885 : memref<1x!tpu.dma_semaphore, #tpu.memory_space<semaphore_mem>> -> memref<!tpu.dma_semaphore, #tpu.memory_space<semaphore_mem>>
      tpu.enqueue_indirect_dma source(%dma_start3A_884 : memref<32770x128xf32, #tpu.memory_space<hbm>>) target(%dma_start3A_880 : memref<128x128xf32, #tpu.memory_space<vmem>>) offsets(%dma_start3A_881 : memref<128xi32, #tpu.memory_space<vmem>>) semaphore(%dma_start3A_886 : memref<!tpu.dma_semaphore, #tpu.memory_space<semaphore_mem>>)
      %add3A_887 = arith.constant 3 : i32
      %add3A_888 = arith.addi %add3A_661, %add3A_887 : i32
      %dma_wait3A_889 = arith.constant 0 : i32
      %dma_wait3A_890 = arith.constant 0 : i32
      %dma_wait3A_891 = arith.constant 0 : i32
      %dma_wait3A_892 = arith.constant 0 : i32
      %dma_wait3A_893 = tpu.memref_slice %arg6[%dma_wait3A_889, %dma_wait3A_891, %dma_wait3A_892] : memref<6x128x128xf32, #tpu.memory_space<vmem>> -> memref<1x128x128xf32, #tpu.memory_space<vmem>>
      %dma_wait3A_894 = tpu.memref_squeeze %dma_wait3A_893 : memref<1x128x128xf32, #tpu.memory_space<vmem>> -> memref<128x128xf32, #tpu.memory_space<vmem>>
      %dma_wait3A_895 = arith.constant 0 : i32
      %dma_wait3A_896 = arith.constant 0 : i32
      %dma_wait3A_897 = tpu.memref_slice %arg2[%dma_wait3A_895, %dma_wait3A_896] : memref<32770x128xf32, #tpu.memory_space<hbm>> -> memref<128x128xf32, #tpu.memory_space<hbm>>
      %dma_wait3A_898 = tpu.memref_slice %arg7[%dma_wait3A_890] : memref<6x!tpu.dma_semaphore, #tpu.memory_space<semaphore_mem>> -> memref<1x!tpu.dma_semaphore, #tpu.memory_space<semaphore_mem>>
      %dma_wait3A_899 = tpu.memref_squeeze %dma_wait3A_898 : memref<1x!tpu.dma_semaphore, #tpu.memory_space<semaphore_mem>> -> memref<!tpu.dma_semaphore, #tpu.memory_space<semaphore_mem>>
      %dma_wait3A_900 = arith.constant 0 : i32
      %dma_wait3A_901 = arith.constant 0 : i32
      %dma_wait3A_902 = tpu.memref_slice %arg6[%dma_wait3A_889, %dma_wait3A_900, %dma_wait3A_901] : memref<6x128x128xf32, #tpu.memory_space<vmem>> -> memref<1x128x128xf32, #tpu.memory_space<vmem>>
      %dma_wait3A_903 = tpu.memref_squeeze %dma_wait3A_902 : memref<1x128x128xf32, #tpu.memory_space<vmem>> -> memref<128x128xf32, #tpu.memory_space<vmem>>
      %dma_wait3A_904 = arith.constant 0 : i32
      %dma_wait3A_905 = arith.constant 0 : i32
      %dma_wait3A_906 = tpu.memref_slice %arg2[%dma_wait3A_904, %dma_wait3A_905] : memref<32770x128xf32, #tpu.memory_space<hbm>> -> memref<128x128xf32, #tpu.memory_space<hbm>>
      tpu.wait_dma2 semaphore(%dma_wait3A_899 : memref<!tpu.dma_semaphore, #tpu.memory_space<semaphore_mem>>) src(%dma_wait3A_906 : memref<128x128xf32, #tpu.memory_space<hbm>>) dst(%dma_wait3A_903 : memref<128x128xf32, #tpu.memory_space<vmem>>)
      %mul3A_907 = arith.constant 128 : i32
      %mul3A_908 = arith.muli %add3A_888, %mul3A_907 : i32
      %add3A_909 = arith.addi %mul3A_2, %mul3A_908 : i32
      %dma_start3A_910 = arith.constant 0 : i32
      %dma_start3A_911 = arith.constant 0 : i32
      %dma_start3A_912 = arith.constant 0 : i32
      %dma_start3A_913 = arith.constant 0 : i32
      %dma_start3A_914 = tpu.memref_slice %arg6[%dma_start3A_910, %dma_start3A_912, %dma_start3A_913] : memref<6x128x128xf32, #tpu.memory_space<vmem>> -> memref<1x128x128xf32, #tpu.memory_space<vmem>>
      %dma_start3A_915 = tpu.memref_squeeze %dma_start3A_914 : memref<1x128x128xf32, #tpu.memory_space<vmem>> -> memref<128x128xf32, #tpu.memory_space<vmem>>
      %dma_start3A_916 = arith.constant 0 : i32
      %dma_start3A_917 = tpu.memref_slice %arg4[%add3A_909, %dma_start3A_916] : memref<1048576x128xf32, #tpu.memory_space<hbm>> -> memref<128x128xf32, #tpu.memory_space<hbm>>
      %dma_start3A_918 = tpu.memref_slice %arg8[%dma_start3A_911] : memref<6x!tpu.dma_semaphore, #tpu.memory_space<semaphore_mem>> -> memref<1x!tpu.dma_semaphore, #tpu.memory_space<semaphore_mem>>
      %dma_start3A_919 = tpu.memref_squeeze %dma_start3A_918 : memref<1x!tpu.dma_semaphore, #tpu.memory_space<semaphore_mem>> -> memref<!tpu.dma_semaphore, #tpu.memory_space<semaphore_mem>>
      %dma_start3A_920 = arith.constant 0 : i32
      %dma_start3A_921 = tpu.memref_slice %arg4[%add3A_909, %dma_start3A_920] : memref<1048576x128xf32, #tpu.memory_space<hbm>> -> memref<128x128xf32, #tpu.memory_space<hbm>>
      %dma_start3A_922 = arith.constant 0 : i32
      %dma_start3A_923 = arith.constant 0 : i32
      %dma_start3A_924 = tpu.memref_slice %arg6[%dma_start3A_910, %dma_start3A_922, %dma_start3A_923] : memref<6x128x128xf32, #tpu.memory_space<vmem>> -> memref<1x128x128xf32, #tpu.memory_space<vmem>>
      %dma_start3A_925 = tpu.memref_squeeze %dma_start3A_924 : memref<1x128x128xf32, #tpu.memory_space<vmem>> -> memref<128x128xf32, #tpu.memory_space<vmem>>
      tpu.enqueue_dma source(%dma_start3A_925 : memref<128x128xf32, #tpu.memory_space<vmem>>) target(%dma_start3A_921 : memref<128x128xf32, #tpu.memory_space<hbm>>) target_semaphore(%dma_start3A_919 : memref<!tpu.dma_semaphore, #tpu.memory_space<semaphore_mem>>)
      %dma_wait3A_926 = arith.constant 3 : i32
      %dma_wait3A_927 = arith.constant 3 : i32
      %dma_wait3A_928 = arith.constant 0 : i32
      %dma_wait3A_929 = arith.constant 0 : i32
      %dma_wait3A_930 = tpu.memref_slice %arg6[%dma_wait3A_926, %dma_wait3A_928, %dma_wait3A_929] : memref<6x128x128xf32, #tpu.memory_space<vmem>> -> memref<1x128x128xf32, #tpu.memory_space<vmem>>
      %dma_wait3A_931 = tpu.memref_squeeze %dma_wait3A_930 : memref<1x128x128xf32, #tpu.memory_space<vmem>> -> memref<128x128xf32, #tpu.memory_space<vmem>>
      %dma_wait3A_932 = arith.constant 0 : i32
      %dma_wait3A_933 = tpu.memref_slice %arg4[%mul3A_2, %dma_wait3A_932] : memref<1048576x128xf32, #tpu.memory_space<hbm>> -> memref<128x128xf32, #tpu.memory_space<hbm>>
      %dma_wait3A_934 = tpu.memref_slice %arg8[%dma_wait3A_927] : memref<6x!tpu.dma_semaphore, #tpu.memory_space<semaphore_mem>> -> memref<1x!tpu.dma_semaphore, #tpu.memory_space<semaphore_mem>>
      %dma_wait3A_935 = tpu.memref_squeeze %dma_wait3A_934 : memref<1x!tpu.dma_semaphore, #tpu.memory_space<semaphore_mem>> -> memref<!tpu.dma_semaphore, #tpu.memory_space<semaphore_mem>>
      %dma_wait3A_936 = arith.constant 0 : i32
      %dma_wait3A_937 = tpu.memref_slice %arg4[%mul3A_2, %dma_wait3A_936] : memref<1048576x128xf32, #tpu.memory_space<hbm>> -> memref<128x128xf32, #tpu.memory_space<hbm>>
      %dma_wait3A_938 = arith.constant 0 : i32
      %dma_wait3A_939 = arith.constant 0 : i32
      %dma_wait3A_940 = tpu.memref_slice %arg6[%dma_wait3A_926, %dma_wait3A_938, %dma_wait3A_939] : memref<6x128x128xf32, #tpu.memory_space<vmem>> -> memref<1x128x128xf32, #tpu.memory_space<vmem>>
      %dma_wait3A_941 = tpu.memref_squeeze %dma_wait3A_940 : memref<1x128x128xf32, #tpu.memory_space<vmem>> -> memref<128x128xf32, #tpu.memory_space<vmem>>
      tpu.wait_dma2 semaphore(%dma_wait3A_935 : memref<!tpu.dma_semaphore, #tpu.memory_space<semaphore_mem>>) src(%dma_wait3A_941 : memref<128x128xf32, #tpu.memory_space<vmem>>) dst(%dma_wait3A_937 : memref<128x128xf32, #tpu.memory_space<hbm>>)
      %add3A_942 = arith.constant 3 : i32
      %add3A_943 = arith.addi %add3A_888, %add3A_942 : i32
      %add3A_944 = arith.constant 3 : i32
      %add3A_945 = arith.addi %add3A_888, %add3A_944 : i32
      %mul3A_946 = arith.constant 128 : i32
      %mul3A_947 = arith.muli %add3A_945, %mul3A_946 : i32
      %add3A_948 = arith.constant 0 : i32
      %add3A_949 = arith.addi %mul3A_947, %add3A_948 : i32
      %dma_start3A_950 = arith.constant 3 : i32
      %dma_start3A_951 = arith.constant 3 : i32
      %dma_start3A_952 = arith.constant 0 : i32
      %dma_start3A_953 = arith.constant 0 : i32
      %dma_start3A_954 = tpu.memref_slice %arg6[%dma_start3A_950, %dma_start3A_952, %dma_start3A_953] : memref<6x128x128xf32, #tpu.memory_space<vmem>> -> memref<1x128x128xf32, #tpu.memory_space<vmem>>
      %dma_start3A_955 = tpu.memref_squeeze %dma_start3A_954 : memref<1x128x128xf32, #tpu.memory_space<vmem>> -> memref<128x128xf32, #tpu.memory_space<vmem>>
      %dma_start3A_956 = tpu.memref_slice %arg5[%add3A_949] : memref<32640xi32, #tpu.memory_space<vmem>> -> memref<128xi32, #tpu.memory_space<vmem>>
      %dma_start3A_957 = arith.constant 0 : i32
      %dma_start3A_958 = arith.constant 0 : i32
      %dma_start3A_959 = tpu.memref_slice %arg2[%dma_start3A_957, %dma_start3A_958] : memref<32770x128xf32, #tpu.memory_space<hbm>> -> memref<32770x128xf32, #tpu.memory_space<hbm>>
      %dma_start3A_960 = tpu.memref_slice %arg7[%dma_start3A_951] : memref<6x!tpu.dma_semaphore, #tpu.memory_space<semaphore_mem>> -> memref<1x!tpu.dma_semaphore, #tpu.memory_space<semaphore_mem>>
      %dma_start3A_961 = tpu.memref_squeeze %dma_start3A_960 : memref<1x!tpu.dma_semaphore, #tpu.memory_space<semaphore_mem>> -> memref<!tpu.dma_semaphore, #tpu.memory_space<semaphore_mem>>
      tpu.enqueue_indirect_dma source(%dma_start3A_959 : memref<32770x128xf32, #tpu.memory_space<hbm>>) target(%dma_start3A_955 : memref<128x128xf32, #tpu.memory_space<vmem>>) offsets(%dma_start3A_956 : memref<128xi32, #tpu.memory_space<vmem>>) semaphore(%dma_start3A_961 : memref<!tpu.dma_semaphore, #tpu.memory_space<semaphore_mem>>)
      %add3A_962 = arith.constant 4 : i32
      %add3A_963 = arith.addi %add3A_661, %add3A_962 : i32
      %dma_wait3A_964 = arith.constant 1 : i32
      %dma_wait3A_965 = arith.constant 1 : i32
      %dma_wait3A_966 = arith.constant 0 : i32
      %dma_wait3A_967 = arith.constant 0 : i32
      %dma_wait3A_968 = tpu.memref_slice %arg6[%dma_wait3A_964, %dma_wait3A_966, %dma_wait3A_967] : memref<6x128x128xf32, #tpu.memory_space<vmem>> -> memref<1x128x128xf32, #tpu.memory_space<vmem>>
      %dma_wait3A_969 = tpu.memref_squeeze %dma_wait3A_968 : memref<1x128x128xf32, #tpu.memory_space<vmem>> -> memref<128x128xf32, #tpu.memory_space<vmem>>
      %dma_wait3A_970 = arith.constant 0 : i32
      %dma_wait3A_971 = arith.constant 0 : i32
      %dma_wait3A_972 = tpu.memref_slice %arg2[%dma_wait3A_970, %dma_wait3A_971] : memref<32770x128xf32, #tpu.memory_space<hbm>> -> memref<128x128xf32, #tpu.memory_space<hbm>>
      %dma_wait3A_973 = tpu.memref_slice %arg7[%dma_wait3A_965] : memref<6x!tpu.dma_semaphore, #tpu.memory_space<semaphore_mem>> -> memref<1x!tpu.dma_semaphore, #tpu.memory_space<semaphore_mem>>
      %dma_wait3A_974 = tpu.memref_squeeze %dma_wait3A_973 : memref<1x!tpu.dma_semaphore, #tpu.memory_space<semaphore_mem>> -> memref<!tpu.dma_semaphore, #tpu.memory_space<semaphore_mem>>
      %dma_wait3A_975 = arith.constant 0 : i32
      %dma_wait3A_976 = arith.constant 0 : i32
      %dma_wait3A_977 = tpu.memref_slice %arg6[%dma_wait3A_964, %dma_wait3A_975, %dma_wait3A_976] : memref<6x128x128xf32, #tpu.memory_space<vmem>> -> memref<1x128x128xf32, #tpu.memory_space<vmem>>
      %dma_wait3A_978 = tpu.memref_squeeze %dma_wait3A_977 : memref<1x128x128xf32, #tpu.memory_space<vmem>> -> memref<128x128xf32, #tpu.memory_space<vmem>>
      %dma_wait3A_979 = arith.constant 0 : i32
      %dma_wait3A_980 = arith.constant 0 : i32
      %dma_wait3A_981 = tpu.memref_slice %arg2[%dma_wait3A_979, %dma_wait3A_980] : memref<32770x128xf32, #tpu.memory_space<hbm>> -> memref<128x128xf32, #tpu.memory_space<hbm>>
      tpu.wait_dma2 semaphore(%dma_wait3A_974 : memref<!tpu.dma_semaphore, #tpu.memory_space<semaphore_mem>>) src(%dma_wait3A_981 : memref<128x128xf32, #tpu.memory_space<hbm>>) dst(%dma_wait3A_978 : memref<128x128xf32, #tpu.memory_space<vmem>>)
      %mul3A_982 = arith.constant 128 : i32
      %mul3A_983 = arith.muli %add3A_963, %mul3A_982 : i32
      %add3A_984 = arith.addi %mul3A_2, %mul3A_983 : i32
      %dma_start3A_985 = arith.constant 1 : i32
      %dma_start3A_986 = arith.constant 1 : i32
      %dma_start3A_987 = arith.constant 0 : i32
      %dma_start3A_988 = arith.constant 0 : i32
      %dma_start3A_989 = tpu.memref_slice %arg6[%dma_start3A_985, %dma_start3A_987, %dma_start3A_988] : memref<6x128x128xf32, #tpu.memory_space<vmem>> -> memref<1x128x128xf32, #tpu.memory_space<vmem>>
      %dma_start3A_990 = tpu.memref_squeeze %dma_start3A_989 : memref<1x128x128xf32, #tpu.memory_space<vmem>> -> memref<128x128xf32, #tpu.memory_space<vmem>>
      %dma_start3A_991 = arith.constant 0 : i32
      %dma_start3A_992 = tpu.memref_slice %arg4[%add3A_984, %dma_start3A_991] : memref<1048576x128xf32, #tpu.memory_space<hbm>> -> memref<128x128xf32, #tpu.memory_space<hbm>>
      %dma_start3A_993 = tpu.memref_slice %arg8[%dma_start3A_986] : memref<6x!tpu.dma_semaphore, #tpu.memory_space<semaphore_mem>> -> memref<1x!tpu.dma_semaphore, #tpu.memory_space<semaphore_mem>>
      %dma_start3A_994 = tpu.memref_squeeze %dma_start3A_993 : memref<1x!tpu.dma_semaphore, #tpu.memory_space<semaphore_mem>> -> memref<!tpu.dma_semaphore, #tpu.memory_space<semaphore_mem>>
      %dma_start3A_995 = arith.constant 0 : i32
      %dma_start3A_996 = tpu.memref_slice %arg4[%add3A_984, %dma_start3A_995] : memref<1048576x128xf32, #tpu.memory_space<hbm>> -> memref<128x128xf32, #tpu.memory_space<hbm>>
      %dma_start3A_997 = arith.constant 0 : i32
      %dma_start3A_998 = arith.constant 0 : i32
      %dma_start3A_999 = tpu.memref_slice %arg6[%dma_start3A_985, %dma_start3A_997, %dma_start3A_998] : memref<6x128x128xf32, #tpu.memory_space<vmem>> -> memref<1x128x128xf32, #tpu.memory_space<vmem>>
      %dma_start3A_1000 = tpu.memref_squeeze %dma_start3A_999 : memref<1x128x128xf32, #tpu.memory_space<vmem>> -> memref<128x128xf32, #tpu.memory_space<vmem>>
      tpu.enqueue_dma source(%dma_start3A_1000 : memref<128x128xf32, #tpu.memory_space<vmem>>) target(%dma_start3A_996 : memref<128x128xf32, #tpu.memory_space<hbm>>) target_semaphore(%dma_start3A_994 : memref<!tpu.dma_semaphore, #tpu.memory_space<semaphore_mem>>)
      %dma_wait3A_1001 = arith.constant 4 : i32
      %dma_wait3A_1002 = arith.constant 4 : i32
      %dma_wait3A_1003 = arith.constant 0 : i32
      %dma_wait3A_1004 = arith.constant 0 : i32
      %dma_wait3A_1005 = tpu.memref_slice %arg6[%dma_wait3A_1001, %dma_wait3A_1003, %dma_wait3A_1004] : memref<6x128x128xf32, #tpu.memory_space<vmem>> -> memref<1x128x128xf32, #tpu.memory_space<vmem>>
      %dma_wait3A_1006 = tpu.memref_squeeze %dma_wait3A_1005 : memref<1x128x128xf32, #tpu.memory_space<vmem>> -> memref<128x128xf32, #tpu.memory_space<vmem>>
      %dma_wait3A_1007 = arith.constant 0 : i32
      %dma_wait3A_1008 = tpu.memref_slice %arg4[%mul3A_2, %dma_wait3A_1007] : memref<1048576x128xf32, #tpu.memory_space<hbm>> -> memref<128x128xf32, #tpu.memory_space<hbm>>
      %dma_wait3A_1009 = tpu.memref_slice %arg8[%dma_wait3A_1002] : memref<6x!tpu.dma_semaphore, #tpu.memory_space<semaphore_mem>> -> memref<1x!tpu.dma_semaphore, #tpu.memory_space<semaphore_mem>>
      %dma_wait3A_1010 = tpu.memref_squeeze %dma_wait3A_1009 : memref<1x!tpu.dma_semaphore, #tpu.memory_space<semaphore_mem>> -> memref<!tpu.dma_semaphore, #tpu.memory_space<semaphore_mem>>
      %dma_wait3A_1011 = arith.constant 0 : i32
      %dma_wait3A_1012 = tpu.memref_slice %arg4[%mul3A_2, %dma_wait3A_1011] : memref<1048576x128xf32, #tpu.memory_space<hbm>> -> memref<128x128xf32, #tpu.memory_space<hbm>>
      %dma_wait3A_1013 = arith.constant 0 : i32
      %dma_wait3A_1014 = arith.constant 0 : i32
      %dma_wait3A_1015 = tpu.memref_slice %arg6[%dma_wait3A_1001, %dma_wait3A_1013, %dma_wait3A_1014] : memref<6x128x128xf32, #tpu.memory_space<vmem>> -> memref<1x128x128xf32, #tpu.memory_space<vmem>>
      %dma_wait3A_1016 = tpu.memref_squeeze %dma_wait3A_1015 : memref<1x128x128xf32, #tpu.memory_space<vmem>> -> memref<128x128xf32, #tpu.memory_space<vmem>>
      tpu.wait_dma2 semaphore(%dma_wait3A_1010 : memref<!tpu.dma_semaphore, #tpu.memory_space<semaphore_mem>>) src(%dma_wait3A_1016 : memref<128x128xf32, #tpu.memory_space<vmem>>) dst(%dma_wait3A_1012 : memref<128x128xf32, #tpu.memory_space<hbm>>)
      %add3A_1017 = arith.constant 3 : i32
      %add3A_1018 = arith.addi %add3A_963, %add3A_1017 : i32
      %add3A_1019 = arith.constant 3 : i32
      %add3A_1020 = arith.addi %add3A_963, %add3A_1019 : i32
      %mul3A_1021 = arith.constant 128 : i32
      %mul3A_1022 = arith.muli %add3A_1020, %mul3A_1021 : i32
      %add3A_1023 = arith.constant 0 : i32
      %add3A_1024 = arith.addi %mul3A_1022, %add3A_1023 : i32
      %dma_start3A_1025 = arith.constant 4 : i32
      %dma_start3A_1026 = arith.constant 4 : i32
      %dma_start3A_1027 = arith.constant 0 : i32
      %dma_start3A_1028 = arith.constant 0 : i32
      %dma_start3A_1029 = tpu.memref_slice %arg6[%dma_start3A_1025, %dma_start3A_1027, %dma_start3A_1028] : memref<6x128x128xf32, #tpu.memory_space<vmem>> -> memref<1x128x128xf32, #tpu.memory_space<vmem>>
      %dma_start3A_1030 = tpu.memref_squeeze %dma_start3A_1029 : memref<1x128x128xf32, #tpu.memory_space<vmem>> -> memref<128x128xf32, #tpu.memory_space<vmem>>
      %dma_start3A_1031 = tpu.memref_slice %arg5[%add3A_1024] : memref<32640xi32, #tpu.memory_space<vmem>> -> memref<128xi32, #tpu.memory_space<vmem>>
      %dma_start3A_1032 = arith.constant 0 : i32
      %dma_start3A_1033 = arith.constant 0 : i32
      %dma_start3A_1034 = tpu.memref_slice %arg2[%dma_start3A_1032, %dma_start3A_1033] : memref<32770x128xf32, #tpu.memory_space<hbm>> -> memref<32770x128xf32, #tpu.memory_space<hbm>>
      %dma_start3A_1035 = tpu.memref_slice %arg7[%dma_start3A_1026] : memref<6x!tpu.dma_semaphore, #tpu.memory_space<semaphore_mem>> -> memref<1x!tpu.dma_semaphore, #tpu.memory_space<semaphore_mem>>
      %dma_start3A_1036 = tpu.memref_squeeze %dma_start3A_1035 : memref<1x!tpu.dma_semaphore, #tpu.memory_space<semaphore_mem>> -> memref<!tpu.dma_semaphore, #tpu.memory_space<semaphore_mem>>
      tpu.enqueue_indirect_dma source(%dma_start3A_1034 : memref<32770x128xf32, #tpu.memory_space<hbm>>) target(%dma_start3A_1030 : memref<128x128xf32, #tpu.memory_space<vmem>>) offsets(%dma_start3A_1031 : memref<128xi32, #tpu.memory_space<vmem>>) semaphore(%dma_start3A_1036 : memref<!tpu.dma_semaphore, #tpu.memory_space<semaphore_mem>>)
      %add3A_1037 = arith.constant 5 : i32
      %add3A_1038 = arith.addi %add3A_661, %add3A_1037 : i32
      %dma_wait3A_1039 = arith.constant 2 : i32
      %dma_wait3A_1040 = arith.constant 2 : i32
      %dma_wait3A_1041 = arith.constant 0 : i32
      %dma_wait3A_1042 = arith.constant 0 : i32
      %dma_wait3A_1043 = tpu.memref_slice %arg6[%dma_wait3A_1039, %dma_wait3A_1041, %dma_wait3A_1042] : memref<6x128x128xf32, #tpu.memory_space<vmem>> -> memref<1x128x128xf32, #tpu.memory_space<vmem>>
      %dma_wait3A_1044 = tpu.memref_squeeze %dma_wait3A_1043 : memref<1x128x128xf32, #tpu.memory_space<vmem>> -> memref<128x128xf32, #tpu.memory_space<vmem>>
      %dma_wait3A_1045 = arith.constant 0 : i32
      %dma_wait3A_1046 = arith.constant 0 : i32
      %dma_wait3A_1047 = tpu.memref_slice %arg2[%dma_wait3A_1045, %dma_wait3A_1046] : memref<32770x128xf32, #tpu.memory_space<hbm>> -> memref<128x128xf32, #tpu.memory_space<hbm>>
      %dma_wait3A_1048 = tpu.memref_slice %arg7[%dma_wait3A_1040] : memref<6x!tpu.dma_semaphore, #tpu.memory_space<semaphore_mem>> -> memref<1x!tpu.dma_semaphore, #tpu.memory_space<semaphore_mem>>
      %dma_wait3A_1049 = tpu.memref_squeeze %dma_wait3A_1048 : memref<1x!tpu.dma_semaphore, #tpu.memory_space<semaphore_mem>> -> memref<!tpu.dma_semaphore, #tpu.memory_space<semaphore_mem>>
      %dma_wait3A_1050 = arith.constant 0 : i32
      %dma_wait3A_1051 = arith.constant 0 : i32
      %dma_wait3A_1052 = tpu.memref_slice %arg6[%dma_wait3A_1039, %dma_wait3A_1050, %dma_wait3A_1051] : memref<6x128x128xf32, #tpu.memory_space<vmem>> -> memref<1x128x128xf32, #tpu.memory_space<vmem>>
      %dma_wait3A_1053 = tpu.memref_squeeze %dma_wait3A_1052 : memref<1x128x128xf32, #tpu.memory_space<vmem>> -> memref<128x128xf32, #tpu.memory_space<vmem>>
      %dma_wait3A_1054 = arith.constant 0 : i32
      %dma_wait3A_1055 = arith.constant 0 : i32
      %dma_wait3A_1056 = tpu.memref_slice %arg2[%dma_wait3A_1054, %dma_wait3A_1055] : memref<32770x128xf32, #tpu.memory_space<hbm>> -> memref<128x128xf32, #tpu.memory_space<hbm>>
      tpu.wait_dma2 semaphore(%dma_wait3A_1049 : memref<!tpu.dma_semaphore, #tpu.memory_space<semaphore_mem>>) src(%dma_wait3A_1056 : memref<128x128xf32, #tpu.memory_space<hbm>>) dst(%dma_wait3A_1053 : memref<128x128xf32, #tpu.memory_space<vmem>>)
      %mul3A_1057 = arith.constant 128 : i32
      %mul3A_1058 = arith.muli %add3A_1038, %mul3A_1057 : i32
      %add3A_1059 = arith.addi %mul3A_2, %mul3A_1058 : i32
      %dma_start3A_1060 = arith.constant 2 : i32
      %dma_start3A_1061 = arith.constant 2 : i32
      %dma_start3A_1062 = arith.constant 0 : i32
      %dma_start3A_1063 = arith.constant 0 : i32
      %dma_start3A_1064 = tpu.memref_slice %arg6[%dma_start3A_1060, %dma_start3A_1062, %dma_start3A_1063] : memref<6x128x128xf32, #tpu.memory_space<vmem>> -> memref<1x128x128xf32, #tpu.memory_space<vmem>>
      %dma_start3A_1065 = tpu.memref_squeeze %dma_start3A_1064 : memref<1x128x128xf32, #tpu.memory_space<vmem>> -> memref<128x128xf32, #tpu.memory_space<vmem>>
      %dma_start3A_1066 = arith.constant 0 : i32
      %dma_start3A_1067 = tpu.memref_slice %arg4[%add3A_1059, %dma_start3A_1066] : memref<1048576x128xf32, #tpu.memory_space<hbm>> -> memref<128x128xf32, #tpu.memory_space<hbm>>
      %dma_start3A_1068 = tpu.memref_slice %arg8[%dma_start3A_1061] : memref<6x!tpu.dma_semaphore, #tpu.memory_space<semaphore_mem>> -> memref<1x!tpu.dma_semaphore, #tpu.memory_space<semaphore_mem>>
      %dma_start3A_1069 = tpu.memref_squeeze %dma_start3A_1068 : memref<1x!tpu.dma_semaphore, #tpu.memory_space<semaphore_mem>> -> memref<!tpu.dma_semaphore, #tpu.memory_space<semaphore_mem>>
      %dma_start3A_1070 = arith.constant 0 : i32
      %dma_start3A_1071 = tpu.memref_slice %arg4[%add3A_1059, %dma_start3A_1070] : memref<1048576x128xf32, #tpu.memory_space<hbm>> -> memref<128x128xf32, #tpu.memory_space<hbm>>
      %dma_start3A_1072 = arith.constant 0 : i32
      %dma_start3A_1073 = arith.constant 0 : i32
      %dma_start3A_1074 = tpu.memref_slice %arg6[%dma_start3A_1060, %dma_start3A_1072, %dma_start3A_1073] : memref<6x128x128xf32, #tpu.memory_space<vmem>> -> memref<1x128x128xf32, #tpu.memory_space<vmem>>
      %dma_start3A_1075 = tpu.memref_squeeze %dma_start3A_1074 : memref<1x128x128xf32, #tpu.memory_space<vmem>> -> memref<128x128xf32, #tpu.memory_space<vmem>>
      tpu.enqueue_dma source(%dma_start3A_1075 : memref<128x128xf32, #tpu.memory_space<vmem>>) target(%dma_start3A_1071 : memref<128x128xf32, #tpu.memory_space<hbm>>) target_semaphore(%dma_start3A_1069 : memref<!tpu.dma_semaphore, #tpu.memory_space<semaphore_mem>>)
      %dma_wait3A_1076 = arith.constant 5 : i32
      %dma_wait3A_1077 = arith.constant 5 : i32
      %dma_wait3A_1078 = arith.constant 0 : i32
      %dma_wait3A_1079 = arith.constant 0 : i32
      %dma_wait3A_1080 = tpu.memref_slice %arg6[%dma_wait3A_1076, %dma_wait3A_1078, %dma_wait3A_1079] : memref<6x128x128xf32, #tpu.memory_space<vmem>> -> memref<1x128x128xf32, #tpu.memory_space<vmem>>
      %dma_wait3A_1081 = tpu.memref_squeeze %dma_wait3A_1080 : memref<1x128x128xf32, #tpu.memory_space<vmem>> -> memref<128x128xf32, #tpu.memory_space<vmem>>
      %dma_wait3A_1082 = arith.constant 0 : i32
      %dma_wait3A_1083 = tpu.memref_slice %arg4[%mul3A_2, %dma_wait3A_1082] : memref<1048576x128xf32, #tpu.memory_space<hbm>> -> memref<128x128xf32, #tpu.memory_space<hbm>>
      %dma_wait3A_1084 = tpu.memref_slice %arg8[%dma_wait3A_1077] : memref<6x!tpu.dma_semaphore, #tpu.memory_space<semaphore_mem>> -> memref<1x!tpu.dma_semaphore, #tpu.memory_space<semaphore_mem>>
      %dma_wait3A_1085 = tpu.memref_squeeze %dma_wait3A_1084 : memref<1x!tpu.dma_semaphore, #tpu.memory_space<semaphore_mem>> -> memref<!tpu.dma_semaphore, #tpu.memory_space<semaphore_mem>>
      %dma_wait3A_1086 = arith.constant 0 : i32
      %dma_wait3A_1087 = tpu.memref_slice %arg4[%mul3A_2, %dma_wait3A_1086] : memref<1048576x128xf32, #tpu.memory_space<hbm>> -> memref<128x128xf32, #tpu.memory_space<hbm>>
      %dma_wait3A_1088 = arith.constant 0 : i32
      %dma_wait3A_1089 = arith.constant 0 : i32
      %dma_wait3A_1090 = tpu.memref_slice %arg6[%dma_wait3A_1076, %dma_wait3A_1088, %dma_wait3A_1089] : memref<6x128x128xf32, #tpu.memory_space<vmem>> -> memref<1x128x128xf32, #tpu.memory_space<vmem>>
      %dma_wait3A_1091 = tpu.memref_squeeze %dma_wait3A_1090 : memref<1x128x128xf32, #tpu.memory_space<vmem>> -> memref<128x128xf32, #tpu.memory_space<vmem>>
      tpu.wait_dma2 semaphore(%dma_wait3A_1085 : memref<!tpu.dma_semaphore, #tpu.memory_space<semaphore_mem>>) src(%dma_wait3A_1091 : memref<128x128xf32, #tpu.memory_space<vmem>>) dst(%dma_wait3A_1087 : memref<128x128xf32, #tpu.memory_space<hbm>>)
      %add3A_1092 = arith.constant 3 : i32
      %add3A_1093 = arith.addi %add3A_1038, %add3A_1092 : i32
      %add3A_1094 = arith.constant 3 : i32
      %add3A_1095 = arith.addi %add3A_1038, %add3A_1094 : i32
      %mul3A_1096 = arith.constant 128 : i32
      %mul3A_1097 = arith.muli %add3A_1095, %mul3A_1096 : i32
      %add3A_1098 = arith.constant 0 : i32
      %add3A_1099 = arith.addi %mul3A_1097, %add3A_1098 : i32
      %dma_start3A_1100 = arith.constant 5 : i32
      %dma_start3A_1101 = arith.constant 5 : i32
      %dma_start3A_1102 = arith.constant 0 : i32
      %dma_start3A_1103 = arith.constant 0 : i32
      %dma_start3A_1104 = tpu.memref_slice %arg6[%dma_start3A_1100, %dma_start3A_1102, %dma_start3A_1103] : memref<6x128x128xf32, #tpu.memory_space<vmem>> -> memref<1x128x128xf32, #tpu.memory_space<vmem>>
      %dma_start3A_1105 = tpu.memref_squeeze %dma_start3A_1104 : memref<1x128x128xf32, #tpu.memory_space<vmem>> -> memref<128x128xf32, #tpu.memory_space<vmem>>
      %dma_start3A_1106 = tpu.memref_slice %arg5[%add3A_1099] : memref<32640xi32, #tpu.memory_space<vmem>> -> memref<128xi32, #tpu.memory_space<vmem>>
      %dma_start3A_1107 = arith.constant 0 : i32
      %dma_start3A_1108 = arith.constant 0 : i32
      %dma_start3A_1109 = tpu.memref_slice %arg2[%dma_start3A_1107, %dma_start3A_1108] : memref<32770x128xf32, #tpu.memory_space<hbm>> -> memref<32770x128xf32, #tpu.memory_space<hbm>>
      %dma_start3A_1110 = tpu.memref_slice %arg7[%dma_start3A_1101] : memref<6x!tpu.dma_semaphore, #tpu.memory_space<semaphore_mem>> -> memref<1x!tpu.dma_semaphore, #tpu.memory_space<semaphore_mem>>
      %dma_start3A_1111 = tpu.memref_squeeze %dma_start3A_1110 : memref<1x!tpu.dma_semaphore, #tpu.memory_space<semaphore_mem>> -> memref<!tpu.dma_semaphore, #tpu.memory_space<semaphore_mem>>
      tpu.enqueue_indirect_dma source(%dma_start3A_1109 : memref<32770x128xf32, #tpu.memory_space<hbm>>) target(%dma_start3A_1105 : memref<128x128xf32, #tpu.memory_space<vmem>>) offsets(%dma_start3A_1106 : memref<128xi32, #tpu.memory_space<vmem>>) semaphore(%dma_start3A_1111 : memref<!tpu.dma_semaphore, #tpu.memory_space<semaphore_mem>>)
    }
    %scan3A_192 = arith.constant 41 : i32
    %dma_wait3A_193 = arith.constant 3 : i32
    %dma_wait3A_194 = arith.constant 3 : i32
    %dma_wait3A_195 = arith.constant 0 : i32
    %dma_wait3A_196 = arith.constant 0 : i32
    %dma_wait3A_197 = tpu.memref_slice %arg6[%dma_wait3A_193, %dma_wait3A_195, %dma_wait3A_196] : memref<6x128x128xf32, #tpu.memory_space<vmem>> -> memref<1x128x128xf32, #tpu.memory_space<vmem>>
    %dma_wait3A_198 = tpu.memref_squeeze %dma_wait3A_197 : memref<1x128x128xf32, #tpu.memory_space<vmem>> -> memref<128x128xf32, #tpu.memory_space<vmem>>
    %dma_wait3A_199 = arith.constant 0 : i32
    %dma_wait3A_200 = arith.constant 0 : i32
    %dma_wait3A_201 = tpu.memref_slice %arg2[%dma_wait3A_199, %dma_wait3A_200] : memref<32770x128xf32, #tpu.memory_space<hbm>> -> memref<128x128xf32, #tpu.memory_space<hbm>>
    %dma_wait3A_202 = tpu.memref_slice %arg7[%dma_wait3A_194] : memref<6x!tpu.dma_semaphore, #tpu.memory_space<semaphore_mem>> -> memref<1x!tpu.dma_semaphore, #tpu.memory_space<semaphore_mem>>
    %dma_wait3A_203 = tpu.memref_squeeze %dma_wait3A_202 : memref<1x!tpu.dma_semaphore, #tpu.memory_space<semaphore_mem>> -> memref<!tpu.dma_semaphore, #tpu.memory_space<semaphore_mem>>
    %dma_wait3A_204 = arith.constant 0 : i32
    %dma_wait3A_205 = arith.constant 0 : i32
    %dma_wait3A_206 = tpu.memref_slice %arg6[%dma_wait3A_193, %dma_wait3A_204, %dma_wait3A_205] : memref<6x128x128xf32, #tpu.memory_space<vmem>> -> memref<1x128x128xf32, #tpu.memory_space<vmem>>
    %dma_wait3A_207 = tpu.memref_squeeze %dma_wait3A_206 : memref<1x128x128xf32, #tpu.memory_space<vmem>> -> memref<128x128xf32, #tpu.memory_space<vmem>>
    %dma_wait3A_208 = arith.constant 0 : i32
    %dma_wait3A_209 = arith.constant 0 : i32
    %dma_wait3A_210 = tpu.memref_slice %arg2[%dma_wait3A_208, %dma_wait3A_209] : memref<32770x128xf32, #tpu.memory_space<hbm>> -> memref<128x128xf32, #tpu.memory_space<hbm>>
    tpu.wait_dma2 semaphore(%dma_wait3A_203 : memref<!tpu.dma_semaphore, #tpu.memory_space<semaphore_mem>>) src(%dma_wait3A_210 : memref<128x128xf32, #tpu.memory_space<hbm>>) dst(%dma_wait3A_207 : memref<128x128xf32, #tpu.memory_space<vmem>>)
    %add3A_211 = arith.constant 31872 : i32
    %add3A_212 = arith.addi %mul3A_2, %add3A_211 : i32
    %dma_start3A_213 = arith.constant 3 : i32
    %dma_start3A_214 = arith.constant 3 : i32
    %dma_start3A_215 = arith.constant 0 : i32
    %dma_start3A_216 = arith.constant 0 : i32
    %dma_start3A_217 = tpu.memref_slice %arg6[%dma_start3A_213, %dma_start3A_215, %dma_start3A_216] : memref<6x128x128xf32, #tpu.memory_space<vmem>> -> memref<1x128x128xf32, #tpu.memory_space<vmem>>
    %dma_start3A_218 = tpu.memref_squeeze %dma_start3A_217 : memref<1x128x128xf32, #tpu.memory_space<vmem>> -> memref<128x128xf32, #tpu.memory_space<vmem>>
    %dma_start3A_219 = arith.constant 0 : i32
    %dma_start3A_220 = tpu.memref_slice %arg4[%add3A_212, %dma_start3A_219] : memref<1048576x128xf32, #tpu.memory_space<hbm>> -> memref<128x128xf32, #tpu.memory_space<hbm>>
    %dma_start3A_221 = tpu.memref_slice %arg8[%dma_start3A_214] : memref<6x!tpu.dma_semaphore, #tpu.memory_space<semaphore_mem>> -> memref<1x!tpu.dma_semaphore, #tpu.memory_space<semaphore_mem>>
    %dma_start3A_222 = tpu.memref_squeeze %dma_start3A_221 : memref<1x!tpu.dma_semaphore, #tpu.memory_space<semaphore_mem>> -> memref<!tpu.dma_semaphore, #tpu.memory_space<semaphore_mem>>
    %dma_start3A_223 = arith.constant 0 : i32
    %dma_start3A_224 = tpu.memref_slice %arg4[%add3A_212, %dma_start3A_223] : memref<1048576x128xf32, #tpu.memory_space<hbm>> -> memref<128x128xf32, #tpu.memory_space<hbm>>
    %dma_start3A_225 = arith.constant 0 : i32
    %dma_start3A_226 = arith.constant 0 : i32
    %dma_start3A_227 = tpu.memref_slice %arg6[%dma_start3A_213, %dma_start3A_225, %dma_start3A_226] : memref<6x128x128xf32, #tpu.memory_space<vmem>> -> memref<1x128x128xf32, #tpu.memory_space<vmem>>
    %dma_start3A_228 = tpu.memref_squeeze %dma_start3A_227 : memref<1x128x128xf32, #tpu.memory_space<vmem>> -> memref<128x128xf32, #tpu.memory_space<vmem>>
    tpu.enqueue_dma source(%dma_start3A_228 : memref<128x128xf32, #tpu.memory_space<vmem>>) target(%dma_start3A_224 : memref<128x128xf32, #tpu.memory_space<hbm>>) target_semaphore(%dma_start3A_222 : memref<!tpu.dma_semaphore, #tpu.memory_space<semaphore_mem>>)
    %dma_wait3A_229 = arith.constant 0 : i32
    %dma_wait3A_230 = arith.constant 0 : i32
    %dma_wait3A_231 = arith.constant 0 : i32
    %dma_wait3A_232 = arith.constant 0 : i32
    %dma_wait3A_233 = tpu.memref_slice %arg6[%dma_wait3A_229, %dma_wait3A_231, %dma_wait3A_232] : memref<6x128x128xf32, #tpu.memory_space<vmem>> -> memref<1x128x128xf32, #tpu.memory_space<vmem>>
    %dma_wait3A_234 = tpu.memref_squeeze %dma_wait3A_233 : memref<1x128x128xf32, #tpu.memory_space<vmem>> -> memref<128x128xf32, #tpu.memory_space<vmem>>
    %dma_wait3A_235 = arith.constant 0 : i32
    %dma_wait3A_236 = tpu.memref_slice %arg4[%mul3A_2, %dma_wait3A_235] : memref<1048576x128xf32, #tpu.memory_space<hbm>> -> memref<128x128xf32, #tpu.memory_space<hbm>>
    %dma_wait3A_237 = tpu.memref_slice %arg8[%dma_wait3A_230] : memref<6x!tpu.dma_semaphore, #tpu.memory_space<semaphore_mem>> -> memref<1x!tpu.dma_semaphore, #tpu.memory_space<semaphore_mem>>
    %dma_wait3A_238 = tpu.memref_squeeze %dma_wait3A_237 : memref<1x!tpu.dma_semaphore, #tpu.memory_space<semaphore_mem>> -> memref<!tpu.dma_semaphore, #tpu.memory_space<semaphore_mem>>
    %dma_wait3A_239 = arith.constant 0 : i32
    %dma_wait3A_240 = tpu.memref_slice %arg4[%mul3A_2, %dma_wait3A_239] : memref<1048576x128xf32, #tpu.memory_space<hbm>> -> memref<128x128xf32, #tpu.memory_space<hbm>>
    %dma_wait3A_241 = arith.constant 0 : i32
    %dma_wait3A_242 = arith.constant 0 : i32
    %dma_wait3A_243 = tpu.memref_slice %arg6[%dma_wait3A_229, %dma_wait3A_241, %dma_wait3A_242] : memref<6x128x128xf32, #tpu.memory_space<vmem>> -> memref<1x128x128xf32, #tpu.memory_space<vmem>>
    %dma_wait3A_244 = tpu.memref_squeeze %dma_wait3A_243 : memref<1x128x128xf32, #tpu.memory_space<vmem>> -> memref<128x128xf32, #tpu.memory_space<vmem>>
    tpu.wait_dma2 semaphore(%dma_wait3A_238 : memref<!tpu.dma_semaphore, #tpu.memory_space<semaphore_mem>>) src(%dma_wait3A_244 : memref<128x128xf32, #tpu.memory_space<vmem>>) dst(%dma_wait3A_240 : memref<128x128xf32, #tpu.memory_space<hbm>>)
    %dma_start3A_245 = arith.constant 0 : i32
    %dma_start3A_246 = arith.constant 0 : i32
    %dma_start3A_247 = arith.constant 0 : i32
    %dma_start3A_248 = arith.constant 0 : i32
    %dma_start3A_249 = tpu.memref_slice %arg6[%dma_start3A_245, %dma_start3A_247, %dma_start3A_248] : memref<6x128x128xf32, #tpu.memory_space<vmem>> -> memref<1x128x128xf32, #tpu.memory_space<vmem>>
    %dma_start3A_250 = tpu.memref_squeeze %dma_start3A_249 : memref<1x128x128xf32, #tpu.memory_space<vmem>> -> memref<128x128xf32, #tpu.memory_space<vmem>>
    %dma_start3A_251 = arith.constant 32256 : i32
    %dma_start3A_252 = tpu.memref_slice %arg5[%dma_start3A_251] : memref<32640xi32, #tpu.memory_space<vmem>> -> memref<128xi32, #tpu.memory_space<vmem>>
    %dma_start3A_253 = arith.constant 0 : i32
    %dma_start3A_254 = arith.constant 0 : i32
    %dma_start3A_255 = tpu.memref_slice %arg2[%dma_start3A_253, %dma_start3A_254] : memref<32770x128xf32, #tpu.memory_space<hbm>> -> memref<32770x128xf32, #tpu.memory_space<hbm>>
    %dma_start3A_256 = tpu.memref_slice %arg7[%dma_start3A_246] : memref<6x!tpu.dma_semaphore, #tpu.memory_space<semaphore_mem>> -> memref<1x!tpu.dma_semaphore, #tpu.memory_space<semaphore_mem>>
    %dma_start3A_257 = tpu.memref_squeeze %dma_start3A_256 : memref<1x!tpu.dma_semaphore, #tpu.memory_space<semaphore_mem>> -> memref<!tpu.dma_semaphore, #tpu.memory_space<semaphore_mem>>
    tpu.enqueue_indirect_dma source(%dma_start3A_255 : memref<32770x128xf32, #tpu.memory_space<hbm>>) target(%dma_start3A_250 : memref<128x128xf32, #tpu.memory_space<vmem>>) offsets(%dma_start3A_252 : memref<128xi32, #tpu.memory_space<vmem>>) semaphore(%dma_start3A_257 : memref<!tpu.dma_semaphore, #tpu.memory_space<semaphore_mem>>)
    %dma_wait3A_258 = arith.constant 4 : i32
    %dma_wait3A_259 = arith.constant 4 : i32
    %dma_wait3A_260 = arith.constant 0 : i32
    %dma_wait3A_261 = arith.constant 0 : i32
    %dma_wait3A_262 = tpu.memref_slice %arg6[%dma_wait3A_258, %dma_wait3A_260, %dma_wait3A_261] : memref<6x128x128xf32, #tpu.memory_space<vmem>> -> memref<1x128x128xf32, #tpu.memory_space<vmem>>
    %dma_wait3A_263 = tpu.memref_squeeze %dma_wait3A_262 : memref<1x128x128xf32, #tpu.memory_space<vmem>> -> memref<128x128xf32, #tpu.memory_space<vmem>>
    %dma_wait3A_264 = arith.constant 0 : i32
    %dma_wait3A_265 = arith.constant 0 : i32
    %dma_wait3A_266 = tpu.memref_slice %arg2[%dma_wait3A_264, %dma_wait3A_265] : memref<32770x128xf32, #tpu.memory_space<hbm>> -> memref<128x128xf32, #tpu.memory_space<hbm>>
    %dma_wait3A_267 = tpu.memref_slice %arg7[%dma_wait3A_259] : memref<6x!tpu.dma_semaphore, #tpu.memory_space<semaphore_mem>> -> memref<1x!tpu.dma_semaphore, #tpu.memory_space<semaphore_mem>>
    %dma_wait3A_268 = tpu.memref_squeeze %dma_wait3A_267 : memref<1x!tpu.dma_semaphore, #tpu.memory_space<semaphore_mem>> -> memref<!tpu.dma_semaphore, #tpu.memory_space<semaphore_mem>>
    %dma_wait3A_269 = arith.constant 0 : i32
    %dma_wait3A_270 = arith.constant 0 : i32
    %dma_wait3A_271 = tpu.memref_slice %arg6[%dma_wait3A_258, %dma_wait3A_269, %dma_wait3A_270] : memref<6x128x128xf32, #tpu.memory_space<vmem>> -> memref<1x128x128xf32, #tpu.memory_space<vmem>>
    %dma_wait3A_272 = tpu.memref_squeeze %dma_wait3A_271 : memref<1x128x128xf32, #tpu.memory_space<vmem>> -> memref<128x128xf32, #tpu.memory_space<vmem>>
    %dma_wait3A_273 = arith.constant 0 : i32
    %dma_wait3A_274 = arith.constant 0 : i32
    %dma_wait3A_275 = tpu.memref_slice %arg2[%dma_wait3A_273, %dma_wait3A_274] : memref<32770x128xf32, #tpu.memory_space<hbm>> -> memref<128x128xf32, #tpu.memory_space<hbm>>
    tpu.wait_dma2 semaphore(%dma_wait3A_268 : memref<!tpu.dma_semaphore, #tpu.memory_space<semaphore_mem>>) src(%dma_wait3A_275 : memref<128x128xf32, #tpu.memory_space<hbm>>) dst(%dma_wait3A_272 : memref<128x128xf32, #tpu.memory_space<vmem>>)
    %add3A_276 = arith.constant 32000 : i32
    %add3A_277 = arith.addi %mul3A_2, %add3A_276 : i32
    %dma_start3A_278 = arith.constant 4 : i32
    %dma_start3A_279 = arith.constant 4 : i32
    %dma_start3A_280 = arith.constant 0 : i32
    %dma_start3A_281 = arith.constant 0 : i32
    %dma_start3A_282 = tpu.memref_slice %arg6[%dma_start3A_278, %dma_start3A_280, %dma_start3A_281] : memref<6x128x128xf32, #tpu.memory_space<vmem>> -> memref<1x128x128xf32, #tpu.memory_space<vmem>>
    %dma_start3A_283 = tpu.memref_squeeze %dma_start3A_282 : memref<1x128x128xf32, #tpu.memory_space<vmem>> -> memref<128x128xf32, #tpu.memory_space<vmem>>
    %dma_start3A_284 = arith.constant 0 : i32
    %dma_start3A_285 = tpu.memref_slice %arg4[%add3A_277, %dma_start3A_284] : memref<1048576x128xf32, #tpu.memory_space<hbm>> -> memref<128x128xf32, #tpu.memory_space<hbm>>
    %dma_start3A_286 = tpu.memref_slice %arg8[%dma_start3A_279] : memref<6x!tpu.dma_semaphore, #tpu.memory_space<semaphore_mem>> -> memref<1x!tpu.dma_semaphore, #tpu.memory_space<semaphore_mem>>
    %dma_start3A_287 = tpu.memref_squeeze %dma_start3A_286 : memref<1x!tpu.dma_semaphore, #tpu.memory_space<semaphore_mem>> -> memref<!tpu.dma_semaphore, #tpu.memory_space<semaphore_mem>>
    %dma_start3A_288 = arith.constant 0 : i32
    %dma_start3A_289 = tpu.memref_slice %arg4[%add3A_277, %dma_start3A_288] : memref<1048576x128xf32, #tpu.memory_space<hbm>> -> memref<128x128xf32, #tpu.memory_space<hbm>>
    %dma_start3A_290 = arith.constant 0 : i32
    %dma_start3A_291 = arith.constant 0 : i32
    %dma_start3A_292 = tpu.memref_slice %arg6[%dma_start3A_278, %dma_start3A_290, %dma_start3A_291] : memref<6x128x128xf32, #tpu.memory_space<vmem>> -> memref<1x128x128xf32, #tpu.memory_space<vmem>>
    %dma_start3A_293 = tpu.memref_squeeze %dma_start3A_292 : memref<1x128x128xf32, #tpu.memory_space<vmem>> -> memref<128x128xf32, #tpu.memory_space<vmem>>
    tpu.enqueue_dma source(%dma_start3A_293 : memref<128x128xf32, #tpu.memory_space<vmem>>) target(%dma_start3A_289 : memref<128x128xf32, #tpu.memory_space<hbm>>) target_semaphore(%dma_start3A_287 : memref<!tpu.dma_semaphore, #tpu.memory_space<semaphore_mem>>)
    %dma_wait3A_294 = arith.constant 1 : i32
    %dma_wait3A_295 = arith.constant 1 : i32
    %dma_wait3A_296 = arith.constant 0 : i32
    %dma_wait3A_297 = arith.constant 0 : i32
    %dma_wait3A_298 = tpu.memref_slice %arg6[%dma_wait3A_294, %dma_wait3A_296, %dma_wait3A_297] : memref<6x128x128xf32, #tpu.memory_space<vmem>> -> memref<1x128x128xf32, #tpu.memory_space<vmem>>
    %dma_wait3A_299 = tpu.memref_squeeze %dma_wait3A_298 : memref<1x128x128xf32, #tpu.memory_space<vmem>> -> memref<128x128xf32, #tpu.memory_space<vmem>>
    %dma_wait3A_300 = arith.constant 0 : i32
    %dma_wait3A_301 = tpu.memref_slice %arg4[%mul3A_2, %dma_wait3A_300] : memref<1048576x128xf32, #tpu.memory_space<hbm>> -> memref<128x128xf32, #tpu.memory_space<hbm>>
    %dma_wait3A_302 = tpu.memref_slice %arg8[%dma_wait3A_295] : memref<6x!tpu.dma_semaphore, #tpu.memory_space<semaphore_mem>> -> memref<1x!tpu.dma_semaphore, #tpu.memory_space<semaphore_mem>>
    %dma_wait3A_303 = tpu.memref_squeeze %dma_wait3A_302 : memref<1x!tpu.dma_semaphore, #tpu.memory_space<semaphore_mem>> -> memref<!tpu.dma_semaphore, #tpu.memory_space<semaphore_mem>>
    %dma_wait3A_304 = arith.constant 0 : i32
    %dma_wait3A_305 = tpu.memref_slice %arg4[%mul3A_2, %dma_wait3A_304] : memref<1048576x128xf32, #tpu.memory_space<hbm>> -> memref<128x128xf32, #tpu.memory_space<hbm>>
    %dma_wait3A_306 = arith.constant 0 : i32
    %dma_wait3A_307 = arith.constant 0 : i32
    %dma_wait3A_308 = tpu.memref_slice %arg6[%dma_wait3A_294, %dma_wait3A_306, %dma_wait3A_307] : memref<6x128x128xf32, #tpu.memory_space<vmem>> -> memref<1x128x128xf32, #tpu.memory_space<vmem>>
    %dma_wait3A_309 = tpu.memref_squeeze %dma_wait3A_308 : memref<1x128x128xf32, #tpu.memory_space<vmem>> -> memref<128x128xf32, #tpu.memory_space<vmem>>
    tpu.wait_dma2 semaphore(%dma_wait3A_303 : memref<!tpu.dma_semaphore, #tpu.memory_space<semaphore_mem>>) src(%dma_wait3A_309 : memref<128x128xf32, #tpu.memory_space<vmem>>) dst(%dma_wait3A_305 : memref<128x128xf32, #tpu.memory_space<hbm>>)
    %dma_start3A_310 = arith.constant 1 : i32
    %dma_start3A_311 = arith.constant 1 : i32
    %dma_start3A_312 = arith.constant 0 : i32
    %dma_start3A_313 = arith.constant 0 : i32
    %dma_start3A_314 = tpu.memref_slice %arg6[%dma_start3A_310, %dma_start3A_312, %dma_start3A_313] : memref<6x128x128xf32, #tpu.memory_space<vmem>> -> memref<1x128x128xf32, #tpu.memory_space<vmem>>
    %dma_start3A_315 = tpu.memref_squeeze %dma_start3A_314 : memref<1x128x128xf32, #tpu.memory_space<vmem>> -> memref<128x128xf32, #tpu.memory_space<vmem>>
    %dma_start3A_316 = arith.constant 32384 : i32
    %dma_start3A_317 = tpu.memref_slice %arg5[%dma_start3A_316] : memref<32640xi32, #tpu.memory_space<vmem>> -> memref<128xi32, #tpu.memory_space<vmem>>
    %dma_start3A_318 = arith.constant 0 : i32
    %dma_start3A_319 = arith.constant 0 : i32
    %dma_start3A_320 = tpu.memref_slice %arg2[%dma_start3A_318, %dma_start3A_319] : memref<32770x128xf32, #tpu.memory_space<hbm>> -> memref<32770x128xf32, #tpu.memory_space<hbm>>
    %dma_start3A_321 = tpu.memref_slice %arg7[%dma_start3A_311] : memref<6x!tpu.dma_semaphore, #tpu.memory_space<semaphore_mem>> -> memref<1x!tpu.dma_semaphore, #tpu.memory_space<semaphore_mem>>
    %dma_start3A_322 = tpu.memref_squeeze %dma_start3A_321 : memref<1x!tpu.dma_semaphore, #tpu.memory_space<semaphore_mem>> -> memref<!tpu.dma_semaphore, #tpu.memory_space<semaphore_mem>>
    tpu.enqueue_indirect_dma source(%dma_start3A_320 : memref<32770x128xf32, #tpu.memory_space<hbm>>) target(%dma_start3A_315 : memref<128x128xf32, #tpu.memory_space<vmem>>) offsets(%dma_start3A_317 : memref<128xi32, #tpu.memory_space<vmem>>) semaphore(%dma_start3A_322 : memref<!tpu.dma_semaphore, #tpu.memory_space<semaphore_mem>>)
    %dma_wait3A_323 = arith.constant 5 : i32
    %dma_wait3A_324 = arith.constant 5 : i32
    %dma_wait3A_325 = arith.constant 0 : i32
    %dma_wait3A_326 = arith.constant 0 : i32
    %dma_wait3A_327 = tpu.memref_slice %arg6[%dma_wait3A_323, %dma_wait3A_325, %dma_wait3A_326] : memref<6x128x128xf32, #tpu.memory_space<vmem>> -> memref<1x128x128xf32, #tpu.memory_space<vmem>>
    %dma_wait3A_328 = tpu.memref_squeeze %dma_wait3A_327 : memref<1x128x128xf32, #tpu.memory_space<vmem>> -> memref<128x128xf32, #tpu.memory_space<vmem>>
    %dma_wait3A_329 = arith.constant 0 : i32
    %dma_wait3A_330 = arith.constant 0 : i32
    %dma_wait3A_331 = tpu.memref_slice %arg2[%dma_wait3A_329, %dma_wait3A_330] : memref<32770x128xf32, #tpu.memory_space<hbm>> -> memref<128x128xf32, #tpu.memory_space<hbm>>
    %dma_wait3A_332 = tpu.memref_slice %arg7[%dma_wait3A_324] : memref<6x!tpu.dma_semaphore, #tpu.memory_space<semaphore_mem>> -> memref<1x!tpu.dma_semaphore, #tpu.memory_space<semaphore_mem>>
    %dma_wait3A_333 = tpu.memref_squeeze %dma_wait3A_332 : memref<1x!tpu.dma_semaphore, #tpu.memory_space<semaphore_mem>> -> memref<!tpu.dma_semaphore, #tpu.memory_space<semaphore_mem>>
    %dma_wait3A_334 = arith.constant 0 : i32
    %dma_wait3A_335 = arith.constant 0 : i32
    %dma_wait3A_336 = tpu.memref_slice %arg6[%dma_wait3A_323, %dma_wait3A_334, %dma_wait3A_335] : memref<6x128x128xf32, #tpu.memory_space<vmem>> -> memref<1x128x128xf32, #tpu.memory_space<vmem>>
    %dma_wait3A_337 = tpu.memref_squeeze %dma_wait3A_336 : memref<1x128x128xf32, #tpu.memory_space<vmem>> -> memref<128x128xf32, #tpu.memory_space<vmem>>
    %dma_wait3A_338 = arith.constant 0 : i32
    %dma_wait3A_339 = arith.constant 0 : i32
    %dma_wait3A_340 = tpu.memref_slice %arg2[%dma_wait3A_338, %dma_wait3A_339] : memref<32770x128xf32, #tpu.memory_space<hbm>> -> memref<128x128xf32, #tpu.memory_space<hbm>>
    tpu.wait_dma2 semaphore(%dma_wait3A_333 : memref<!tpu.dma_semaphore, #tpu.memory_space<semaphore_mem>>) src(%dma_wait3A_340 : memref<128x128xf32, #tpu.memory_space<hbm>>) dst(%dma_wait3A_337 : memref<128x128xf32, #tpu.memory_space<vmem>>)
    %add3A_341 = arith.constant 32128 : i32
    %add3A_342 = arith.addi %mul3A_2, %add3A_341 : i32
    %dma_start3A_343 = arith.constant 5 : i32
    %dma_start3A_344 = arith.constant 5 : i32
    %dma_start3A_345 = arith.constant 0 : i32
    %dma_start3A_346 = arith.constant 0 : i32
    %dma_start3A_347 = tpu.memref_slice %arg6[%dma_start3A_343, %dma_start3A_345, %dma_start3A_346] : memref<6x128x128xf32, #tpu.memory_space<vmem>> -> memref<1x128x128xf32, #tpu.memory_space<vmem>>
    %dma_start3A_348 = tpu.memref_squeeze %dma_start3A_347 : memref<1x128x128xf32, #tpu.memory_space<vmem>> -> memref<128x128xf32, #tpu.memory_space<vmem>>
    %dma_start3A_349 = arith.constant 0 : i32
    %dma_start3A_350 = tpu.memref_slice %arg4[%add3A_342, %dma_start3A_349] : memref<1048576x128xf32, #tpu.memory_space<hbm>> -> memref<128x128xf32, #tpu.memory_space<hbm>>
    %dma_start3A_351 = tpu.memref_slice %arg8[%dma_start3A_344] : memref<6x!tpu.dma_semaphore, #tpu.memory_space<semaphore_mem>> -> memref<1x!tpu.dma_semaphore, #tpu.memory_space<semaphore_mem>>
    %dma_start3A_352 = tpu.memref_squeeze %dma_start3A_351 : memref<1x!tpu.dma_semaphore, #tpu.memory_space<semaphore_mem>> -> memref<!tpu.dma_semaphore, #tpu.memory_space<semaphore_mem>>
    %dma_start3A_353 = arith.constant 0 : i32
    %dma_start3A_354 = tpu.memref_slice %arg4[%add3A_342, %dma_start3A_353] : memref<1048576x128xf32, #tpu.memory_space<hbm>> -> memref<128x128xf32, #tpu.memory_space<hbm>>
    %dma_start3A_355 = arith.constant 0 : i32
    %dma_start3A_356 = arith.constant 0 : i32
    %dma_start3A_357 = tpu.memref_slice %arg6[%dma_start3A_343, %dma_start3A_355, %dma_start3A_356] : memref<6x128x128xf32, #tpu.memory_space<vmem>> -> memref<1x128x128xf32, #tpu.memory_space<vmem>>
    %dma_start3A_358 = tpu.memref_squeeze %dma_start3A_357 : memref<1x128x128xf32, #tpu.memory_space<vmem>> -> memref<128x128xf32, #tpu.memory_space<vmem>>
    tpu.enqueue_dma source(%dma_start3A_358 : memref<128x128xf32, #tpu.memory_space<vmem>>) target(%dma_start3A_354 : memref<128x128xf32, #tpu.memory_space<hbm>>) target_semaphore(%dma_start3A_352 : memref<!tpu.dma_semaphore, #tpu.memory_space<semaphore_mem>>)
    %dma_wait3A_359 = arith.constant 2 : i32
    %dma_wait3A_360 = arith.constant 2 : i32
    %dma_wait3A_361 = arith.constant 0 : i32
    %dma_wait3A_362 = arith.constant 0 : i32
    %dma_wait3A_363 = tpu.memref_slice %arg6[%dma_wait3A_359, %dma_wait3A_361, %dma_wait3A_362] : memref<6x128x128xf32, #tpu.memory_space<vmem>> -> memref<1x128x128xf32, #tpu.memory_space<vmem>>
    %dma_wait3A_364 = tpu.memref_squeeze %dma_wait3A_363 : memref<1x128x128xf32, #tpu.memory_space<vmem>> -> memref<128x128xf32, #tpu.memory_space<vmem>>
    %dma_wait3A_365 = arith.constant 0 : i32
    %dma_wait3A_366 = tpu.memref_slice %arg4[%mul3A_2, %dma_wait3A_365] : memref<1048576x128xf32, #tpu.memory_space<hbm>> -> memref<128x128xf32, #tpu.memory_space<hbm>>
    %dma_wait3A_367 = tpu.memref_slice %arg8[%dma_wait3A_360] : memref<6x!tpu.dma_semaphore, #tpu.memory_space<semaphore_mem>> -> memref<1x!tpu.dma_semaphore, #tpu.memory_space<semaphore_mem>>
    %dma_wait3A_368 = tpu.memref_squeeze %dma_wait3A_367 : memref<1x!tpu.dma_semaphore, #tpu.memory_space<semaphore_mem>> -> memref<!tpu.dma_semaphore, #tpu.memory_space<semaphore_mem>>
    %dma_wait3A_369 = arith.constant 0 : i32
    %dma_wait3A_370 = tpu.memref_slice %arg4[%mul3A_2, %dma_wait3A_369] : memref<1048576x128xf32, #tpu.memory_space<hbm>> -> memref<128x128xf32, #tpu.memory_space<hbm>>
    %dma_wait3A_371 = arith.constant 0 : i32
    %dma_wait3A_372 = arith.constant 0 : i32
    %dma_wait3A_373 = tpu.memref_slice %arg6[%dma_wait3A_359, %dma_wait3A_371, %dma_wait3A_372] : memref<6x128x128xf32, #tpu.memory_space<vmem>> -> memref<1x128x128xf32, #tpu.memory_space<vmem>>
    %dma_wait3A_374 = tpu.memref_squeeze %dma_wait3A_373 : memref<1x128x128xf32, #tpu.memory_space<vmem>> -> memref<128x128xf32, #tpu.memory_space<vmem>>
    tpu.wait_dma2 semaphore(%dma_wait3A_368 : memref<!tpu.dma_semaphore, #tpu.memory_space<semaphore_mem>>) src(%dma_wait3A_374 : memref<128x128xf32, #tpu.memory_space<vmem>>) dst(%dma_wait3A_370 : memref<128x128xf32, #tpu.memory_space<hbm>>)
    %dma_start3A_375 = arith.constant 2 : i32
    %dma_start3A_376 = arith.constant 2 : i32
    %dma_start3A_377 = arith.constant 0 : i32
    %dma_start3A_378 = arith.constant 0 : i32
    %dma_start3A_379 = tpu.memref_slice %arg6[%dma_start3A_375, %dma_start3A_377, %dma_start3A_378] : memref<6x128x128xf32, #tpu.memory_space<vmem>> -> memref<1x128x128xf32, #tpu.memory_space<vmem>>
    %dma_start3A_380 = tpu.memref_squeeze %dma_start3A_379 : memref<1x128x128xf32, #tpu.memory_space<vmem>> -> memref<128x128xf32, #tpu.memory_space<vmem>>
    %dma_start3A_381 = arith.constant 32512 : i32
    %dma_start3A_382 = tpu.memref_slice %arg5[%dma_start3A_381] : memref<32640xi32, #tpu.memory_space<vmem>> -> memref<128xi32, #tpu.memory_space<vmem>>
    %dma_start3A_383 = arith.constant 0 : i32
    %dma_start3A_384 = arith.constant 0 : i32
    %dma_start3A_385 = tpu.memref_slice %arg2[%dma_start3A_383, %dma_start3A_384] : memref<32770x128xf32, #tpu.memory_space<hbm>> -> memref<32770x128xf32, #tpu.memory_space<hbm>>
    %dma_start3A_386 = tpu.memref_slice %arg7[%dma_start3A_376] : memref<6x!tpu.dma_semaphore, #tpu.memory_space<semaphore_mem>> -> memref<1x!tpu.dma_semaphore, #tpu.memory_space<semaphore_mem>>
    %dma_start3A_387 = tpu.memref_squeeze %dma_start3A_386 : memref<1x!tpu.dma_semaphore, #tpu.memory_space<semaphore_mem>> -> memref<!tpu.dma_semaphore, #tpu.memory_space<semaphore_mem>>
    tpu.enqueue_indirect_dma source(%dma_start3A_385 : memref<32770x128xf32, #tpu.memory_space<hbm>>) target(%dma_start3A_380 : memref<128x128xf32, #tpu.memory_space<vmem>>) offsets(%dma_start3A_382 : memref<128xi32, #tpu.memory_space<vmem>>) semaphore(%dma_start3A_387 : memref<!tpu.dma_semaphore, #tpu.memory_space<semaphore_mem>>)
    %dma_wait3A_388 = arith.constant 0 : i32
    %dma_wait3A_389 = arith.constant 0 : i32
    %dma_wait3A_390 = arith.constant 0 : i32
    %dma_wait3A_391 = arith.constant 0 : i32
    %dma_wait3A_392 = tpu.memref_slice %arg6[%dma_wait3A_388, %dma_wait3A_390, %dma_wait3A_391] : memref<6x128x128xf32, #tpu.memory_space<vmem>> -> memref<1x128x128xf32, #tpu.memory_space<vmem>>
    %dma_wait3A_393 = tpu.memref_squeeze %dma_wait3A_392 : memref<1x128x128xf32, #tpu.memory_space<vmem>> -> memref<128x128xf32, #tpu.memory_space<vmem>>
    %dma_wait3A_394 = arith.constant 0 : i32
    %dma_wait3A_395 = arith.constant 0 : i32
    %dma_wait3A_396 = tpu.memref_slice %arg2[%dma_wait3A_394, %dma_wait3A_395] : memref<32770x128xf32, #tpu.memory_space<hbm>> -> memref<128x128xf32, #tpu.memory_space<hbm>>
    %dma_wait3A_397 = tpu.memref_slice %arg7[%dma_wait3A_389] : memref<6x!tpu.dma_semaphore, #tpu.memory_space<semaphore_mem>> -> memref<1x!tpu.dma_semaphore, #tpu.memory_space<semaphore_mem>>
    %dma_wait3A_398 = tpu.memref_squeeze %dma_wait3A_397 : memref<1x!tpu.dma_semaphore, #tpu.memory_space<semaphore_mem>> -> memref<!tpu.dma_semaphore, #tpu.memory_space<semaphore_mem>>
    %dma_wait3A_399 = arith.constant 0 : i32
    %dma_wait3A_400 = arith.constant 0 : i32
    %dma_wait3A_401 = tpu.memref_slice %arg6[%dma_wait3A_388, %dma_wait3A_399, %dma_wait3A_400] : memref<6x128x128xf32, #tpu.memory_space<vmem>> -> memref<1x128x128xf32, #tpu.memory_space<vmem>>
    %dma_wait3A_402 = tpu.memref_squeeze %dma_wait3A_401 : memref<1x128x128xf32, #tpu.memory_space<vmem>> -> memref<128x128xf32, #tpu.memory_space<vmem>>
    %dma_wait3A_403 = arith.constant 0 : i32
    %dma_wait3A_404 = arith.constant 0 : i32
    %dma_wait3A_405 = tpu.memref_slice %arg2[%dma_wait3A_403, %dma_wait3A_404] : memref<32770x128xf32, #tpu.memory_space<hbm>> -> memref<128x128xf32, #tpu.memory_space<hbm>>
    tpu.wait_dma2 semaphore(%dma_wait3A_398 : memref<!tpu.dma_semaphore, #tpu.memory_space<semaphore_mem>>) src(%dma_wait3A_405 : memref<128x128xf32, #tpu.memory_space<hbm>>) dst(%dma_wait3A_402 : memref<128x128xf32, #tpu.memory_space<vmem>>)
    %add3A_406 = arith.constant 32256 : i32
    %add3A_407 = arith.addi %mul3A_2, %add3A_406 : i32
    %dma_start3A_408 = arith.constant 0 : i32
    %dma_start3A_409 = arith.constant 0 : i32
    %dma_start3A_410 = arith.constant 0 : i32
    %dma_start3A_411 = arith.constant 0 : i32
    %dma_start3A_412 = tpu.memref_slice %arg6[%dma_start3A_408, %dma_start3A_410, %dma_start3A_411] : memref<6x128x128xf32, #tpu.memory_space<vmem>> -> memref<1x128x128xf32, #tpu.memory_space<vmem>>
    %dma_start3A_413 = tpu.memref_squeeze %dma_start3A_412 : memref<1x128x128xf32, #tpu.memory_space<vmem>> -> memref<128x128xf32, #tpu.memory_space<vmem>>
    %dma_start3A_414 = arith.constant 0 : i32
    %dma_start3A_415 = tpu.memref_slice %arg4[%add3A_407, %dma_start3A_414] : memref<1048576x128xf32, #tpu.memory_space<hbm>> -> memref<128x128xf32, #tpu.memory_space<hbm>>
    %dma_start3A_416 = tpu.memref_slice %arg8[%dma_start3A_409] : memref<6x!tpu.dma_semaphore, #tpu.memory_space<semaphore_mem>> -> memref<1x!tpu.dma_semaphore, #tpu.memory_space<semaphore_mem>>
    %dma_start3A_417 = tpu.memref_squeeze %dma_start3A_416 : memref<1x!tpu.dma_semaphore, #tpu.memory_space<semaphore_mem>> -> memref<!tpu.dma_semaphore, #tpu.memory_space<semaphore_mem>>
    %dma_start3A_418 = arith.constant 0 : i32
    %dma_start3A_419 = tpu.memref_slice %arg4[%add3A_407, %dma_start3A_418] : memref<1048576x128xf32, #tpu.memory_space<hbm>> -> memref<128x128xf32, #tpu.memory_space<hbm>>
    %dma_start3A_420 = arith.constant 0 : i32
    %dma_start3A_421 = arith.constant 0 : i32
    %dma_start3A_422 = tpu.memref_slice %arg6[%dma_start3A_408, %dma_start3A_420, %dma_start3A_421] : memref<6x128x128xf32, #tpu.memory_space<vmem>> -> memref<1x128x128xf32, #tpu.memory_space<vmem>>
    %dma_start3A_423 = tpu.memref_squeeze %dma_start3A_422 : memref<1x128x128xf32, #tpu.memory_space<vmem>> -> memref<128x128xf32, #tpu.memory_space<vmem>>
    tpu.enqueue_dma source(%dma_start3A_423 : memref<128x128xf32, #tpu.memory_space<vmem>>) target(%dma_start3A_419 : memref<128x128xf32, #tpu.memory_space<hbm>>) target_semaphore(%dma_start3A_417 : memref<!tpu.dma_semaphore, #tpu.memory_space<semaphore_mem>>)
    %dma_wait3A_424 = arith.constant 3 : i32
    %dma_wait3A_425 = arith.constant 3 : i32
    %dma_wait3A_426 = arith.constant 0 : i32
    %dma_wait3A_427 = arith.constant 0 : i32
    %dma_wait3A_428 = tpu.memref_slice %arg6[%dma_wait3A_424, %dma_wait3A_426, %dma_wait3A_427] : memref<6x128x128xf32, #tpu.memory_space<vmem>> -> memref<1x128x128xf32, #tpu.memory_space<vmem>>
    %dma_wait3A_429 = tpu.memref_squeeze %dma_wait3A_428 : memref<1x128x128xf32, #tpu.memory_space<vmem>> -> memref<128x128xf32, #tpu.memory_space<vmem>>
    %dma_wait3A_430 = arith.constant 0 : i32
    %dma_wait3A_431 = tpu.memref_slice %arg4[%mul3A_2, %dma_wait3A_430] : memref<1048576x128xf32, #tpu.memory_space<hbm>> -> memref<128x128xf32, #tpu.memory_space<hbm>>
    %dma_wait3A_432 = tpu.memref_slice %arg8[%dma_wait3A_425] : memref<6x!tpu.dma_semaphore, #tpu.memory_space<semaphore_mem>> -> memref<1x!tpu.dma_semaphore, #tpu.memory_space<semaphore_mem>>
    %dma_wait3A_433 = tpu.memref_squeeze %dma_wait3A_432 : memref<1x!tpu.dma_semaphore, #tpu.memory_space<semaphore_mem>> -> memref<!tpu.dma_semaphore, #tpu.memory_space<semaphore_mem>>
    %dma_wait3A_434 = arith.constant 0 : i32
    %dma_wait3A_435 = tpu.memref_slice %arg4[%mul3A_2, %dma_wait3A_434] : memref<1048576x128xf32, #tpu.memory_space<hbm>> -> memref<128x128xf32, #tpu.memory_space<hbm>>
    %dma_wait3A_436 = arith.constant 0 : i32
    %dma_wait3A_437 = arith.constant 0 : i32
    %dma_wait3A_438 = tpu.memref_slice %arg6[%dma_wait3A_424, %dma_wait3A_436, %dma_wait3A_437] : memref<6x128x128xf32, #tpu.memory_space<vmem>> -> memref<1x128x128xf32, #tpu.memory_space<vmem>>
    %dma_wait3A_439 = tpu.memref_squeeze %dma_wait3A_438 : memref<1x128x128xf32, #tpu.memory_space<vmem>> -> memref<128x128xf32, #tpu.memory_space<vmem>>
    tpu.wait_dma2 semaphore(%dma_wait3A_433 : memref<!tpu.dma_semaphore, #tpu.memory_space<semaphore_mem>>) src(%dma_wait3A_439 : memref<128x128xf32, #tpu.memory_space<vmem>>) dst(%dma_wait3A_435 : memref<128x128xf32, #tpu.memory_space<hbm>>)
    %dma_start3A_440 = arith.constant 3 : i32
    %dma_start3A_441 = arith.constant 3 : i32
    %dma_start3A_442 = arith.constant 0 : i32
    %dma_start3A_443 = arith.constant 0 : i32
    %dma_start3A_444 = tpu.memref_slice %arg6[%dma_start3A_440, %dma_start3A_442, %dma_start3A_443] : memref<6x128x128xf32, #tpu.memory_space<vmem>> -> memref<1x128x128xf32, #tpu.memory_space<vmem>>
    %dma_start3A_445 = tpu.memref_squeeze %dma_start3A_444 : memref<1x128x128xf32, #tpu.memory_space<vmem>> -> memref<128x128xf32, #tpu.memory_space<vmem>>
    %dma_start3A_446 = arith.constant 0 : i32
    %dma_start3A_447 = tpu.memref_slice %arg5[%dma_start3A_446] : memref<32640xi32, #tpu.memory_space<vmem>> -> memref<128xi32, #tpu.memory_space<vmem>>
    %dma_start3A_448 = arith.constant 0 : i32
    %dma_start3A_449 = arith.constant 0 : i32
    %dma_start3A_450 = tpu.memref_slice %arg2[%dma_start3A_448, %dma_start3A_449] : memref<32770x128xf32, #tpu.memory_space<hbm>> -> memref<32770x128xf32, #tpu.memory_space<hbm>>
    %dma_start3A_451 = tpu.memref_slice %arg7[%dma_start3A_441] : memref<6x!tpu.dma_semaphore, #tpu.memory_space<semaphore_mem>> -> memref<1x!tpu.dma_semaphore, #tpu.memory_space<semaphore_mem>>
    %dma_start3A_452 = tpu.memref_squeeze %dma_start3A_451 : memref<1x!tpu.dma_semaphore, #tpu.memory_space<semaphore_mem>> -> memref<!tpu.dma_semaphore, #tpu.memory_space<semaphore_mem>>
    tpu.enqueue_indirect_dma source(%dma_start3A_450 : memref<32770x128xf32, #tpu.memory_space<hbm>>) target(%dma_start3A_445 : memref<128x128xf32, #tpu.memory_space<vmem>>) offsets(%dma_start3A_447 : memref<128xi32, #tpu.memory_space<vmem>>) semaphore(%dma_start3A_452 : memref<!tpu.dma_semaphore, #tpu.memory_space<semaphore_mem>>)
    %dma_wait3A_453 = arith.constant 1 : i32
    %dma_wait3A_454 = arith.constant 1 : i32
    %dma_wait3A_455 = arith.constant 0 : i32
    %dma_wait3A_456 = arith.constant 0 : i32
    %dma_wait3A_457 = tpu.memref_slice %arg6[%dma_wait3A_453, %dma_wait3A_455, %dma_wait3A_456] : memref<6x128x128xf32, #tpu.memory_space<vmem>> -> memref<1x128x128xf32, #tpu.memory_space<vmem>>
    %dma_wait3A_458 = tpu.memref_squeeze %dma_wait3A_457 : memref<1x128x128xf32, #tpu.memory_space<vmem>> -> memref<128x128xf32, #tpu.memory_space<vmem>>
    %dma_wait3A_459 = arith.constant 0 : i32
    %dma_wait3A_460 = arith.constant 0 : i32
    %dma_wait3A_461 = tpu.memref_slice %arg2[%dma_wait3A_459, %dma_wait3A_460] : memref<32770x128xf32, #tpu.memory_space<hbm>> -> memref<128x128xf32, #tpu.memory_space<hbm>>
    %dma_wait3A_462 = tpu.memref_slice %arg7[%dma_wait3A_454] : memref<6x!tpu.dma_semaphore, #tpu.memory_space<semaphore_mem>> -> memref<1x!tpu.dma_semaphore, #tpu.memory_space<semaphore_mem>>
    %dma_wait3A_463 = tpu.memref_squeeze %dma_wait3A_462 : memref<1x!tpu.dma_semaphore, #tpu.memory_space<semaphore_mem>> -> memref<!tpu.dma_semaphore, #tpu.memory_space<semaphore_mem>>
    %dma_wait3A_464 = arith.constant 0 : i32
    %dma_wait3A_465 = arith.constant 0 : i32
    %dma_wait3A_466 = tpu.memref_slice %arg6[%dma_wait3A_453, %dma_wait3A_464, %dma_wait3A_465] : memref<6x128x128xf32, #tpu.memory_space<vmem>> -> memref<1x128x128xf32, #tpu.memory_space<vmem>>
    %dma_wait3A_467 = tpu.memref_squeeze %dma_wait3A_466 : memref<1x128x128xf32, #tpu.memory_space<vmem>> -> memref<128x128xf32, #tpu.memory_space<vmem>>
    %dma_wait3A_468 = arith.constant 0 : i32
    %dma_wait3A_469 = arith.constant 0 : i32
    %dma_wait3A_470 = tpu.memref_slice %arg2[%dma_wait3A_468, %dma_wait3A_469] : memref<32770x128xf32, #tpu.memory_space<hbm>> -> memref<128x128xf32, #tpu.memory_space<hbm>>
    tpu.wait_dma2 semaphore(%dma_wait3A_463 : memref<!tpu.dma_semaphore, #tpu.memory_space<semaphore_mem>>) src(%dma_wait3A_470 : memref<128x128xf32, #tpu.memory_space<hbm>>) dst(%dma_wait3A_467 : memref<128x128xf32, #tpu.memory_space<vmem>>)
    %add3A_471 = arith.constant 32384 : i32
    %add3A_472 = arith.addi %mul3A_2, %add3A_471 : i32
    %dma_start3A_473 = arith.constant 1 : i32
    %dma_start3A_474 = arith.constant 1 : i32
    %dma_start3A_475 = arith.constant 0 : i32
    %dma_start3A_476 = arith.constant 0 : i32
    %dma_start3A_477 = tpu.memref_slice %arg6[%dma_start3A_473, %dma_start3A_475, %dma_start3A_476] : memref<6x128x128xf32, #tpu.memory_space<vmem>> -> memref<1x128x128xf32, #tpu.memory_space<vmem>>
    %dma_start3A_478 = tpu.memref_squeeze %dma_start3A_477 : memref<1x128x128xf32, #tpu.memory_space<vmem>> -> memref<128x128xf32, #tpu.memory_space<vmem>>
    %dma_start3A_479 = arith.constant 0 : i32
    %dma_start3A_480 = tpu.memref_slice %arg4[%add3A_472, %dma_start3A_479] : memref<1048576x128xf32, #tpu.memory_space<hbm>> -> memref<128x128xf32, #tpu.memory_space<hbm>>
    %dma_start3A_481 = tpu.memref_slice %arg8[%dma_start3A_474] : memref<6x!tpu.dma_semaphore, #tpu.memory_space<semaphore_mem>> -> memref<1x!tpu.dma_semaphore, #tpu.memory_space<semaphore_mem>>
    %dma_start3A_482 = tpu.memref_squeeze %dma_start3A_481 : memref<1x!tpu.dma_semaphore, #tpu.memory_space<semaphore_mem>> -> memref<!tpu.dma_semaphore, #tpu.memory_space<semaphore_mem>>
    %dma_start3A_483 = arith.constant 0 : i32
    %dma_start3A_484 = tpu.memref_slice %arg4[%add3A_472, %dma_start3A_483] : memref<1048576x128xf32, #tpu.memory_space<hbm>> -> memref<128x128xf32, #tpu.memory_space<hbm>>
    %dma_start3A_485 = arith.constant 0 : i32
    %dma_start3A_486 = arith.constant 0 : i32
    %dma_start3A_487 = tpu.memref_slice %arg6[%dma_start3A_473, %dma_start3A_485, %dma_start3A_486] : memref<6x128x128xf32, #tpu.memory_space<vmem>> -> memref<1x128x128xf32, #tpu.memory_space<vmem>>
    %dma_start3A_488 = tpu.memref_squeeze %dma_start3A_487 : memref<1x128x128xf32, #tpu.memory_space<vmem>> -> memref<128x128xf32, #tpu.memory_space<vmem>>
    tpu.enqueue_dma source(%dma_start3A_488 : memref<128x128xf32, #tpu.memory_space<vmem>>) target(%dma_start3A_484 : memref<128x128xf32, #tpu.memory_space<hbm>>) target_semaphore(%dma_start3A_482 : memref<!tpu.dma_semaphore, #tpu.memory_space<semaphore_mem>>)
    %dma_wait3A_489 = arith.constant 2 : i32
    %dma_wait3A_490 = arith.constant 2 : i32
    %dma_wait3A_491 = arith.constant 0 : i32
    %dma_wait3A_492 = arith.constant 0 : i32
    %dma_wait3A_493 = tpu.memref_slice %arg6[%dma_wait3A_489, %dma_wait3A_491, %dma_wait3A_492] : memref<6x128x128xf32, #tpu.memory_space<vmem>> -> memref<1x128x128xf32, #tpu.memory_space<vmem>>
    %dma_wait3A_494 = tpu.memref_squeeze %dma_wait3A_493 : memref<1x128x128xf32, #tpu.memory_space<vmem>> -> memref<128x128xf32, #tpu.memory_space<vmem>>
    %dma_wait3A_495 = arith.constant 0 : i32
    %dma_wait3A_496 = arith.constant 0 : i32
    %dma_wait3A_497 = tpu.memref_slice %arg2[%dma_wait3A_495, %dma_wait3A_496] : memref<32770x128xf32, #tpu.memory_space<hbm>> -> memref<128x128xf32, #tpu.memory_space<hbm>>
    %dma_wait3A_498 = tpu.memref_slice %arg7[%dma_wait3A_490] : memref<6x!tpu.dma_semaphore, #tpu.memory_space<semaphore_mem>> -> memref<1x!tpu.dma_semaphore, #tpu.memory_space<semaphore_mem>>
    %dma_wait3A_499 = tpu.memref_squeeze %dma_wait3A_498 : memref<1x!tpu.dma_semaphore, #tpu.memory_space<semaphore_mem>> -> memref<!tpu.dma_semaphore, #tpu.memory_space<semaphore_mem>>
    %dma_wait3A_500 = arith.constant 0 : i32
    %dma_wait3A_501 = arith.constant 0 : i32
    %dma_wait3A_502 = tpu.memref_slice %arg6[%dma_wait3A_489, %dma_wait3A_500, %dma_wait3A_501] : memref<6x128x128xf32, #tpu.memory_space<vmem>> -> memref<1x128x128xf32, #tpu.memory_space<vmem>>
    %dma_wait3A_503 = tpu.memref_squeeze %dma_wait3A_502 : memref<1x128x128xf32, #tpu.memory_space<vmem>> -> memref<128x128xf32, #tpu.memory_space<vmem>>
    %dma_wait3A_504 = arith.constant 0 : i32
    %dma_wait3A_505 = arith.constant 0 : i32
    %dma_wait3A_506 = tpu.memref_slice %arg2[%dma_wait3A_504, %dma_wait3A_505] : memref<32770x128xf32, #tpu.memory_space<hbm>> -> memref<128x128xf32, #tpu.memory_space<hbm>>
    tpu.wait_dma2 semaphore(%dma_wait3A_499 : memref<!tpu.dma_semaphore, #tpu.memory_space<semaphore_mem>>) src(%dma_wait3A_506 : memref<128x128xf32, #tpu.memory_space<hbm>>) dst(%dma_wait3A_503 : memref<128x128xf32, #tpu.memory_space<vmem>>)
    %add3A_507 = arith.constant 32512 : i32
    %add3A_508 = arith.addi %mul3A_2, %add3A_507 : i32
    %dma_start3A_509 = arith.constant 2 : i32
    %dma_start3A_510 = arith.constant 2 : i32
    %dma_start3A_511 = arith.constant 0 : i32
    %dma_start3A_512 = arith.constant 0 : i32
    %dma_start3A_513 = tpu.memref_slice %arg6[%dma_start3A_509, %dma_start3A_511, %dma_start3A_512] : memref<6x128x128xf32, #tpu.memory_space<vmem>> -> memref<1x128x128xf32, #tpu.memory_space<vmem>>
    %dma_start3A_514 = tpu.memref_squeeze %dma_start3A_513 : memref<1x128x128xf32, #tpu.memory_space<vmem>> -> memref<128x128xf32, #tpu.memory_space<vmem>>
    %dma_start3A_515 = arith.constant 0 : i32
    %dma_start3A_516 = tpu.memref_slice %arg4[%add3A_508, %dma_start3A_515] : memref<1048576x128xf32, #tpu.memory_space<hbm>> -> memref<128x128xf32, #tpu.memory_space<hbm>>
    %dma_start3A_517 = tpu.memref_slice %arg8[%dma_start3A_510] : memref<6x!tpu.dma_semaphore, #tpu.memory_space<semaphore_mem>> -> memref<1x!tpu.dma_semaphore, #tpu.memory_space<semaphore_mem>>
    %dma_start3A_518 = tpu.memref_squeeze %dma_start3A_517 : memref<1x!tpu.dma_semaphore, #tpu.memory_space<semaphore_mem>> -> memref<!tpu.dma_semaphore, #tpu.memory_space<semaphore_mem>>
    %dma_start3A_519 = arith.constant 0 : i32
    %dma_start3A_520 = tpu.memref_slice %arg4[%add3A_508, %dma_start3A_519] : memref<1048576x128xf32, #tpu.memory_space<hbm>> -> memref<128x128xf32, #tpu.memory_space<hbm>>
    %dma_start3A_521 = arith.constant 0 : i32
    %dma_start3A_522 = arith.constant 0 : i32
    %dma_start3A_523 = tpu.memref_slice %arg6[%dma_start3A_509, %dma_start3A_521, %dma_start3A_522] : memref<6x128x128xf32, #tpu.memory_space<vmem>> -> memref<1x128x128xf32, #tpu.memory_space<vmem>>
    %dma_start3A_524 = tpu.memref_squeeze %dma_start3A_523 : memref<1x128x128xf32, #tpu.memory_space<vmem>> -> memref<128x128xf32, #tpu.memory_space<vmem>>
    tpu.enqueue_dma source(%dma_start3A_524 : memref<128x128xf32, #tpu.memory_space<vmem>>) target(%dma_start3A_520 : memref<128x128xf32, #tpu.memory_space<hbm>>) target_semaphore(%dma_start3A_518 : memref<!tpu.dma_semaphore, #tpu.memory_space<semaphore_mem>>)
    %dma_wait3A_525 = arith.constant 3 : i32
    %dma_wait3A_526 = arith.constant 3 : i32
    %dma_wait3A_527 = arith.constant 0 : i32
    %dma_wait3A_528 = arith.constant 0 : i32
    %dma_wait3A_529 = tpu.memref_slice %arg6[%dma_wait3A_525, %dma_wait3A_527, %dma_wait3A_528] : memref<6x128x128xf32, #tpu.memory_space<vmem>> -> memref<1x128x128xf32, #tpu.memory_space<vmem>>
    %dma_wait3A_530 = tpu.memref_squeeze %dma_wait3A_529 : memref<1x128x128xf32, #tpu.memory_space<vmem>> -> memref<128x128xf32, #tpu.memory_space<vmem>>
    %dma_wait3A_531 = arith.constant 0 : i32
    %dma_wait3A_532 = arith.constant 0 : i32
    %dma_wait3A_533 = tpu.memref_slice %arg2[%dma_wait3A_531, %dma_wait3A_532] : memref<32770x128xf32, #tpu.memory_space<hbm>> -> memref<128x128xf32, #tpu.memory_space<hbm>>
    %dma_wait3A_534 = tpu.memref_slice %arg7[%dma_wait3A_526] : memref<6x!tpu.dma_semaphore, #tpu.memory_space<semaphore_mem>> -> memref<1x!tpu.dma_semaphore, #tpu.memory_space<semaphore_mem>>
    %dma_wait3A_535 = tpu.memref_squeeze %dma_wait3A_534 : memref<1x!tpu.dma_semaphore, #tpu.memory_space<semaphore_mem>> -> memref<!tpu.dma_semaphore, #tpu.memory_space<semaphore_mem>>
    %dma_wait3A_536 = arith.constant 0 : i32
    %dma_wait3A_537 = arith.constant 0 : i32
    %dma_wait3A_538 = tpu.memref_slice %arg6[%dma_wait3A_525, %dma_wait3A_536, %dma_wait3A_537] : memref<6x128x128xf32, #tpu.memory_space<vmem>> -> memref<1x128x128xf32, #tpu.memory_space<vmem>>
    %dma_wait3A_539 = tpu.memref_squeeze %dma_wait3A_538 : memref<1x128x128xf32, #tpu.memory_space<vmem>> -> memref<128x128xf32, #tpu.memory_space<vmem>>
    %dma_wait3A_540 = arith.constant 0 : i32
    %dma_wait3A_541 = arith.constant 0 : i32
    %dma_wait3A_542 = tpu.memref_slice %arg2[%dma_wait3A_540, %dma_wait3A_541] : memref<32770x128xf32, #tpu.memory_space<hbm>> -> memref<128x128xf32, #tpu.memory_space<hbm>>
    tpu.wait_dma2 semaphore(%dma_wait3A_535 : memref<!tpu.dma_semaphore, #tpu.memory_space<semaphore_mem>>) src(%dma_wait3A_542 : memref<128x128xf32, #tpu.memory_space<hbm>>) dst(%dma_wait3A_539 : memref<128x128xf32, #tpu.memory_space<vmem>>)
    %add3A_543 = arith.constant 32640 : i32
    %add3A_544 = arith.addi %mul3A_2, %add3A_543 : i32
    %dma_start3A_545 = arith.constant 3 : i32
    %dma_start3A_546 = arith.constant 3 : i32
    %dma_start3A_547 = arith.constant 0 : i32
    %dma_start3A_548 = arith.constant 0 : i32
    %dma_start3A_549 = tpu.memref_slice %arg6[%dma_start3A_545, %dma_start3A_547, %dma_start3A_548] : memref<6x128x128xf32, #tpu.memory_space<vmem>> -> memref<1x128x128xf32, #tpu.memory_space<vmem>>
    %dma_start3A_550 = tpu.memref_squeeze %dma_start3A_549 : memref<1x128x128xf32, #tpu.memory_space<vmem>> -> memref<128x128xf32, #tpu.memory_space<vmem>>
    %dma_start3A_551 = arith.constant 0 : i32
    %dma_start3A_552 = tpu.memref_slice %arg4[%add3A_544, %dma_start3A_551] : memref<1048576x128xf32, #tpu.memory_space<hbm>> -> memref<128x128xf32, #tpu.memory_space<hbm>>
    %dma_start3A_553 = tpu.memref_slice %arg8[%dma_start3A_546] : memref<6x!tpu.dma_semaphore, #tpu.memory_space<semaphore_mem>> -> memref<1x!tpu.dma_semaphore, #tpu.memory_space<semaphore_mem>>
    %dma_start3A_554 = tpu.memref_squeeze %dma_start3A_553 : memref<1x!tpu.dma_semaphore, #tpu.memory_space<semaphore_mem>> -> memref<!tpu.dma_semaphore, #tpu.memory_space<semaphore_mem>>
    %dma_start3A_555 = arith.constant 0 : i32
    %dma_start3A_556 = tpu.memref_slice %arg4[%add3A_544, %dma_start3A_555] : memref<1048576x128xf32, #tpu.memory_space<hbm>> -> memref<128x128xf32, #tpu.memory_space<hbm>>
    %dma_start3A_557 = arith.constant 0 : i32
    %dma_start3A_558 = arith.constant 0 : i32
    %dma_start3A_559 = tpu.memref_slice %arg6[%dma_start3A_545, %dma_start3A_557, %dma_start3A_558] : memref<6x128x128xf32, #tpu.memory_space<vmem>> -> memref<1x128x128xf32, #tpu.memory_space<vmem>>
    %dma_start3A_560 = tpu.memref_squeeze %dma_start3A_559 : memref<1x128x128xf32, #tpu.memory_space<vmem>> -> memref<128x128xf32, #tpu.memory_space<vmem>>
    tpu.enqueue_dma source(%dma_start3A_560 : memref<128x128xf32, #tpu.memory_space<vmem>>) target(%dma_start3A_556 : memref<128x128xf32, #tpu.memory_space<hbm>>) target_semaphore(%dma_start3A_554 : memref<!tpu.dma_semaphore, #tpu.memory_space<semaphore_mem>>)
    %dma_wait3A_561 = arith.constant 4 : i32
    %dma_wait3A_562 = arith.constant 4 : i32
    %dma_wait3A_563 = arith.constant 0 : i32
    %dma_wait3A_564 = arith.constant 0 : i32
    %dma_wait3A_565 = tpu.memref_slice %arg6[%dma_wait3A_561, %dma_wait3A_563, %dma_wait3A_564] : memref<6x128x128xf32, #tpu.memory_space<vmem>> -> memref<1x128x128xf32, #tpu.memory_space<vmem>>
    %dma_wait3A_566 = tpu.memref_squeeze %dma_wait3A_565 : memref<1x128x128xf32, #tpu.memory_space<vmem>> -> memref<128x128xf32, #tpu.memory_space<vmem>>
    %dma_wait3A_567 = arith.constant 0 : i32
    %dma_wait3A_568 = tpu.memref_slice %arg4[%mul3A_2, %dma_wait3A_567] : memref<1048576x128xf32, #tpu.memory_space<hbm>> -> memref<128x128xf32, #tpu.memory_space<hbm>>
    %dma_wait3A_569 = tpu.memref_slice %arg8[%dma_wait3A_562] : memref<6x!tpu.dma_semaphore, #tpu.memory_space<semaphore_mem>> -> memref<1x!tpu.dma_semaphore, #tpu.memory_space<semaphore_mem>>
    %dma_wait3A_570 = tpu.memref_squeeze %dma_wait3A_569 : memref<1x!tpu.dma_semaphore, #tpu.memory_space<semaphore_mem>> -> memref<!tpu.dma_semaphore, #tpu.memory_space<semaphore_mem>>
    %dma_wait3A_571 = arith.constant 0 : i32
    %dma_wait3A_572 = tpu.memref_slice %arg4[%mul3A_2, %dma_wait3A_571] : memref<1048576x128xf32, #tpu.memory_space<hbm>> -> memref<128x128xf32, #tpu.memory_space<hbm>>
    %dma_wait3A_573 = arith.constant 0 : i32
    %dma_wait3A_574 = arith.constant 0 : i32
    %dma_wait3A_575 = tpu.memref_slice %arg6[%dma_wait3A_561, %dma_wait3A_573, %dma_wait3A_574] : memref<6x128x128xf32, #tpu.memory_space<vmem>> -> memref<1x128x128xf32, #tpu.memory_space<vmem>>
    %dma_wait3A_576 = tpu.memref_squeeze %dma_wait3A_575 : memref<1x128x128xf32, #tpu.memory_space<vmem>> -> memref<128x128xf32, #tpu.memory_space<vmem>>
    tpu.wait_dma2 semaphore(%dma_wait3A_570 : memref<!tpu.dma_semaphore, #tpu.memory_space<semaphore_mem>>) src(%dma_wait3A_576 : memref<128x128xf32, #tpu.memory_space<vmem>>) dst(%dma_wait3A_572 : memref<128x128xf32, #tpu.memory_space<hbm>>)
    %dma_wait3A_577 = arith.constant 5 : i32
    %dma_wait3A_578 = arith.constant 5 : i32
    %dma_wait3A_579 = arith.constant 0 : i32
    %dma_wait3A_580 = arith.constant 0 : i32
    %dma_wait3A_581 = tpu.memref_slice %arg6[%dma_wait3A_577, %dma_wait3A_579, %dma_wait3A_580] : memref<6x128x128xf32, #tpu.memory_space<vmem>> -> memref<1x128x128xf32, #tpu.memory_space<vmem>>
    %dma_wait3A_582 = tpu.memref_squeeze %dma_wait3A_581 : memref<1x128x128xf32, #tpu.memory_space<vmem>> -> memref<128x128xf32, #tpu.memory_space<vmem>>
    %dma_wait3A_583 = arith.constant 0 : i32
    %dma_wait3A_584 = tpu.memref_slice %arg4[%mul3A_2, %dma_wait3A_583] : memref<1048576x128xf32, #tpu.memory_space<hbm>> -> memref<128x128xf32, #tpu.memory_space<hbm>>
    %dma_wait3A_585 = tpu.memref_slice %arg8[%dma_wait3A_578] : memref<6x!tpu.dma_semaphore, #tpu.memory_space<semaphore_mem>> -> memref<1x!tpu.dma_semaphore, #tpu.memory_space<semaphore_mem>>
    %dma_wait3A_586 = tpu.memref_squeeze %dma_wait3A_585 : memref<1x!tpu.dma_semaphore, #tpu.memory_space<semaphore_mem>> -> memref<!tpu.dma_semaphore, #tpu.memory_space<semaphore_mem>>
    %dma_wait3A_587 = arith.constant 0 : i32
    %dma_wait3A_588 = tpu.memref_slice %arg4[%mul3A_2, %dma_wait3A_587] : memref<1048576x128xf32, #tpu.memory_space<hbm>> -> memref<128x128xf32, #tpu.memory_space<hbm>>
    %dma_wait3A_589 = arith.constant 0 : i32
    %dma_wait3A_590 = arith.constant 0 : i32
    %dma_wait3A_591 = tpu.memref_slice %arg6[%dma_wait3A_577, %dma_wait3A_589, %dma_wait3A_590] : memref<6x128x128xf32, #tpu.memory_space<vmem>> -> memref<1x128x128xf32, #tpu.memory_space<vmem>>
    %dma_wait3A_592 = tpu.memref_squeeze %dma_wait3A_591 : memref<1x128x128xf32, #tpu.memory_space<vmem>> -> memref<128x128xf32, #tpu.memory_space<vmem>>
    tpu.wait_dma2 semaphore(%dma_wait3A_586 : memref<!tpu.dma_semaphore, #tpu.memory_space<semaphore_mem>>) src(%dma_wait3A_592 : memref<128x128xf32, #tpu.memory_space<vmem>>) dst(%dma_wait3A_588 : memref<128x128xf32, #tpu.memory_space<hbm>>)
    %dma_wait3A_593 = arith.constant 0 : i32
    %dma_wait3A_594 = arith.constant 0 : i32
    %dma_wait3A_595 = arith.constant 0 : i32
    %dma_wait3A_596 = arith.constant 0 : i32
    %dma_wait3A_597 = tpu.memref_slice %arg6[%dma_wait3A_593, %dma_wait3A_595, %dma_wait3A_596] : memref<6x128x128xf32, #tpu.memory_space<vmem>> -> memref<1x128x128xf32, #tpu.memory_space<vmem>>
    %dma_wait3A_598 = tpu.memref_squeeze %dma_wait3A_597 : memref<1x128x128xf32, #tpu.memory_space<vmem>> -> memref<128x128xf32, #tpu.memory_space<vmem>>
    %dma_wait3A_599 = arith.constant 0 : i32
    %dma_wait3A_600 = tpu.memref_slice %arg4[%mul3A_2, %dma_wait3A_599] : memref<1048576x128xf32, #tpu.memory_space<hbm>> -> memref<128x128xf32, #tpu.memory_space<hbm>>
    %dma_wait3A_601 = tpu.memref_slice %arg8[%dma_wait3A_594] : memref<6x!tpu.dma_semaphore, #tpu.memory_space<semaphore_mem>> -> memref<1x!tpu.dma_semaphore, #tpu.memory_space<semaphore_mem>>
    %dma_wait3A_602 = tpu.memref_squeeze %dma_wait3A_601 : memref<1x!tpu.dma_semaphore, #tpu.memory_space<semaphore_mem>> -> memref<!tpu.dma_semaphore, #tpu.memory_space<semaphore_mem>>
    %dma_wait3A_603 = arith.constant 0 : i32
    %dma_wait3A_604 = tpu.memref_slice %arg4[%mul3A_2, %dma_wait3A_603] : memref<1048576x128xf32, #tpu.memory_space<hbm>> -> memref<128x128xf32, #tpu.memory_space<hbm>>
    %dma_wait3A_605 = arith.constant 0 : i32
    %dma_wait3A_606 = arith.constant 0 : i32
    %dma_wait3A_607 = tpu.memref_slice %arg6[%dma_wait3A_593, %dma_wait3A_605, %dma_wait3A_606] : memref<6x128x128xf32, #tpu.memory_space<vmem>> -> memref<1x128x128xf32, #tpu.memory_space<vmem>>
    %dma_wait3A_608 = tpu.memref_squeeze %dma_wait3A_607 : memref<1x128x128xf32, #tpu.memory_space<vmem>> -> memref<128x128xf32, #tpu.memory_space<vmem>>
    tpu.wait_dma2 semaphore(%dma_wait3A_602 : memref<!tpu.dma_semaphore, #tpu.memory_space<semaphore_mem>>) src(%dma_wait3A_608 : memref<128x128xf32, #tpu.memory_space<vmem>>) dst(%dma_wait3A_604 : memref<128x128xf32, #tpu.memory_space<hbm>>)
    %dma_wait3A_609 = arith.constant 1 : i32
    %dma_wait3A_610 = arith.constant 1 : i32
    %dma_wait3A_611 = arith.constant 0 : i32
    %dma_wait3A_612 = arith.constant 0 : i32
    %dma_wait3A_613 = tpu.memref_slice %arg6[%dma_wait3A_609, %dma_wait3A_611, %dma_wait3A_612] : memref<6x128x128xf32, #tpu.memory_space<vmem>> -> memref<1x128x128xf32, #tpu.memory_space<vmem>>
    %dma_wait3A_614 = tpu.memref_squeeze %dma_wait3A_613 : memref<1x128x128xf32, #tpu.memory_space<vmem>> -> memref<128x128xf32, #tpu.memory_space<vmem>>
    %dma_wait3A_615 = arith.constant 0 : i32
    %dma_wait3A_616 = tpu.memref_slice %arg4[%mul3A_2, %dma_wait3A_615] : memref<1048576x128xf32, #tpu.memory_space<hbm>> -> memref<128x128xf32, #tpu.memory_space<hbm>>
    %dma_wait3A_617 = tpu.memref_slice %arg8[%dma_wait3A_610] : memref<6x!tpu.dma_semaphore, #tpu.memory_space<semaphore_mem>> -> memref<1x!tpu.dma_semaphore, #tpu.memory_space<semaphore_mem>>
    %dma_wait3A_618 = tpu.memref_squeeze %dma_wait3A_617 : memref<1x!tpu.dma_semaphore, #tpu.memory_space<semaphore_mem>> -> memref<!tpu.dma_semaphore, #tpu.memory_space<semaphore_mem>>
    %dma_wait3A_619 = arith.constant 0 : i32
    %dma_wait3A_620 = tpu.memref_slice %arg4[%mul3A_2, %dma_wait3A_619] : memref<1048576x128xf32, #tpu.memory_space<hbm>> -> memref<128x128xf32, #tpu.memory_space<hbm>>
    %dma_wait3A_621 = arith.constant 0 : i32
    %dma_wait3A_622 = arith.constant 0 : i32
    %dma_wait3A_623 = tpu.memref_slice %arg6[%dma_wait3A_609, %dma_wait3A_621, %dma_wait3A_622] : memref<6x128x128xf32, #tpu.memory_space<vmem>> -> memref<1x128x128xf32, #tpu.memory_space<vmem>>
    %dma_wait3A_624 = tpu.memref_squeeze %dma_wait3A_623 : memref<1x128x128xf32, #tpu.memory_space<vmem>> -> memref<128x128xf32, #tpu.memory_space<vmem>>
    tpu.wait_dma2 semaphore(%dma_wait3A_618 : memref<!tpu.dma_semaphore, #tpu.memory_space<semaphore_mem>>) src(%dma_wait3A_624 : memref<128x128xf32, #tpu.memory_space<vmem>>) dst(%dma_wait3A_620 : memref<128x128xf32, #tpu.memory_space<hbm>>)
    %dma_wait3A_625 = arith.constant 2 : i32
    %dma_wait3A_626 = arith.constant 2 : i32
    %dma_wait3A_627 = arith.constant 0 : i32
    %dma_wait3A_628 = arith.constant 0 : i32
    %dma_wait3A_629 = tpu.memref_slice %arg6[%dma_wait3A_625, %dma_wait3A_627, %dma_wait3A_628] : memref<6x128x128xf32, #tpu.memory_space<vmem>> -> memref<1x128x128xf32, #tpu.memory_space<vmem>>
    %dma_wait3A_630 = tpu.memref_squeeze %dma_wait3A_629 : memref<1x128x128xf32, #tpu.memory_space<vmem>> -> memref<128x128xf32, #tpu.memory_space<vmem>>
    %dma_wait3A_631 = arith.constant 0 : i32
    %dma_wait3A_632 = tpu.memref_slice %arg4[%mul3A_2, %dma_wait3A_631] : memref<1048576x128xf32, #tpu.memory_space<hbm>> -> memref<128x128xf32, #tpu.memory_space<hbm>>
    %dma_wait3A_633 = tpu.memref_slice %arg8[%dma_wait3A_626] : memref<6x!tpu.dma_semaphore, #tpu.memory_space<semaphore_mem>> -> memref<1x!tpu.dma_semaphore, #tpu.memory_space<semaphore_mem>>
    %dma_wait3A_634 = tpu.memref_squeeze %dma_wait3A_633 : memref<1x!tpu.dma_semaphore, #tpu.memory_space<semaphore_mem>> -> memref<!tpu.dma_semaphore, #tpu.memory_space<semaphore_mem>>
    %dma_wait3A_635 = arith.constant 0 : i32
    %dma_wait3A_636 = tpu.memref_slice %arg4[%mul3A_2, %dma_wait3A_635] : memref<1048576x128xf32, #tpu.memory_space<hbm>> -> memref<128x128xf32, #tpu.memory_space<hbm>>
    %dma_wait3A_637 = arith.constant 0 : i32
    %dma_wait3A_638 = arith.constant 0 : i32
    %dma_wait3A_639 = tpu.memref_slice %arg6[%dma_wait3A_625, %dma_wait3A_637, %dma_wait3A_638] : memref<6x128x128xf32, #tpu.memory_space<vmem>> -> memref<1x128x128xf32, #tpu.memory_space<vmem>>
    %dma_wait3A_640 = tpu.memref_squeeze %dma_wait3A_639 : memref<1x128x128xf32, #tpu.memory_space<vmem>> -> memref<128x128xf32, #tpu.memory_space<vmem>>
    tpu.wait_dma2 semaphore(%dma_wait3A_634 : memref<!tpu.dma_semaphore, #tpu.memory_space<semaphore_mem>>) src(%dma_wait3A_640 : memref<128x128xf32, #tpu.memory_space<vmem>>) dst(%dma_wait3A_636 : memref<128x128xf32, #tpu.memory_space<hbm>>)
    %dma_wait3A_641 = arith.constant 3 : i32
    %dma_wait3A_642 = arith.constant 3 : i32
    %dma_wait3A_643 = arith.constant 0 : i32
    %dma_wait3A_644 = arith.constant 0 : i32
    %dma_wait3A_645 = tpu.memref_slice %arg6[%dma_wait3A_641, %dma_wait3A_643, %dma_wait3A_644] : memref<6x128x128xf32, #tpu.memory_space<vmem>> -> memref<1x128x128xf32, #tpu.memory_space<vmem>>
    %dma_wait3A_646 = tpu.memref_squeeze %dma_wait3A_645 : memref<1x128x128xf32, #tpu.memory_space<vmem>> -> memref<128x128xf32, #tpu.memory_space<vmem>>
    %dma_wait3A_647 = arith.constant 0 : i32
    %dma_wait3A_648 = tpu.memref_slice %arg4[%mul3A_2, %dma_wait3A_647] : memref<1048576x128xf32, #tpu.memory_space<hbm>> -> memref<128x128xf32, #tpu.memory_space<hbm>>
    %dma_wait3A_649 = tpu.memref_slice %arg8[%dma_wait3A_642] : memref<6x!tpu.dma_semaphore, #tpu.memory_space<semaphore_mem>> -> memref<1x!tpu.dma_semaphore, #tpu.memory_space<semaphore_mem>>
    %dma_wait3A_650 = tpu.memref_squeeze %dma_wait3A_649 : memref<1x!tpu.dma_semaphore, #tpu.memory_space<semaphore_mem>> -> memref<!tpu.dma_semaphore, #tpu.memory_space<semaphore_mem>>
    %dma_wait3A_651 = arith.constant 0 : i32
    %dma_wait3A_652 = tpu.memref_slice %arg4[%mul3A_2, %dma_wait3A_651] : memref<1048576x128xf32, #tpu.memory_space<hbm>> -> memref<128x128xf32, #tpu.memory_space<hbm>>
    %dma_wait3A_653 = arith.constant 0 : i32
    %dma_wait3A_654 = arith.constant 0 : i32
    %dma_wait3A_655 = tpu.memref_slice %arg6[%dma_wait3A_641, %dma_wait3A_653, %dma_wait3A_654] : memref<6x128x128xf32, #tpu.memory_space<vmem>> -> memref<1x128x128xf32, #tpu.memory_space<vmem>>
    %dma_wait3A_656 = tpu.memref_squeeze %dma_wait3A_655 : memref<1x128x128xf32, #tpu.memory_space<vmem>> -> memref<128x128xf32, #tpu.memory_space<vmem>>
    tpu.wait_dma2 semaphore(%dma_wait3A_650 : memref<!tpu.dma_semaphore, #tpu.memory_space<semaphore_mem>>) src(%dma_wait3A_656 : memref<128x128xf32, #tpu.memory_space<vmem>>) dst(%dma_wait3A_652 : memref<128x128xf32, #tpu.memory_space<hbm>>)
    return
  }
}

module attributes {stable_mosaic.version = 14 : i64} {
  func.func @_ln_body(%arg0: i32, %arg1: memref<256x128xf32, #tpu.memory_space<vmem>>, %arg2: memref<1x128xf32, #tpu.memory_space<vmem>>, %arg3: memref<1x128xf32, #tpu.memory_space<vmem>>, %arg4: memref<256x128xf32, #tpu.memory_space<vmem>>) attributes {dimension_semantics = [#tpu.dimension_semantics<arbitrary>], iteration_bounds = array<i64: 129>, scalar_prefetch = 0 : i64, scratch_operands = 0 : i64, tpu.core_type = #tpu.core_type<tc>, window_params = [{transform_indices = @transform_0, window_bounds = array<i64: 256, 128>}, {pipeline_mode = #tpu.pipeline_mode<synchronous>, transform_indices = @transform_1, window_bounds = array<i64: 1, 128>}, {pipeline_mode = #tpu.pipeline_mode<synchronous>, transform_indices = @transform_2, window_bounds = array<i64: 1, 128>}, {transform_indices = @transform_3, window_bounds = array<i64: 256, 128>}]} {
    %get3A = arith.constant 0 : index
    %get3A_0 = arith.constant 0 : index
    %get3A_1 = vector.load %arg1[%get3A, %get3A_0] : memref<256x128xf32, #tpu.memory_space<vmem>>, vector<256x128xf32>
    %reduce_sum3A = arith.constant dense<0.000000e+00> : vector<256xf32>
    %reduce_sum3A_2 = vector.multi_reduction <add>, %get3A_1, %reduce_sum3A [1] : vector<256x128xf32> to vector<256xf32>
    %broadcast_in_dim3A = vector.shape_cast %reduce_sum3A_2 : vector<256xf32> to vector<256x1xf32>
    %div3A = arith.constant 1.280000e+02 : f32
    %div3A_3 = vector.broadcast %div3A : f32 to vector<256x1xf32>
    %div3A_4 = arith.divf %broadcast_in_dim3A, %div3A_3 : vector<256x1xf32>
    %sub3A = vector.broadcast %div3A_4 : vector<256x1xf32> to vector<256x128xf32>
    %sub3A_5 = arith.subf %get3A_1, %sub3A : vector<256x128xf32>
    %mul3A = arith.mulf %sub3A_5, %sub3A_5 : vector<256x128xf32>
    %reduce_sum3A_6 = arith.constant dense<0.000000e+00> : vector<256xf32>
    %reduce_sum3A_7 = vector.multi_reduction <add>, %mul3A, %reduce_sum3A_6 [1] : vector<256x128xf32> to vector<256xf32>
    %broadcast_in_dim3A_8 = vector.shape_cast %reduce_sum3A_7 : vector<256xf32> to vector<256x1xf32>
    %div3A_9 = arith.constant 1.280000e+02 : f32
    %div3A_10 = vector.broadcast %div3A_9 : f32 to vector<256x1xf32>
    %div3A_11 = arith.divf %broadcast_in_dim3A_8, %div3A_10 : vector<256x1xf32>
    %add3A = arith.constant 9.99999974E-6 : f32
    %add3A_12 = vector.broadcast %add3A : f32 to vector<256x1xf32>
    %add3A_13 = arith.addf %div3A_11, %add3A_12 : vector<256x1xf32>
    %rsqrt3A = math.rsqrt %add3A_13 : vector<256x1xf32>
    %mul3A_14 = vector.broadcast %rsqrt3A : vector<256x1xf32> to vector<256x128xf32>
    %mul3A_15 = arith.mulf %sub3A_5, %mul3A_14 : vector<256x128xf32>
    %get3A_16 = arith.constant 0 : index
    %get3A_17 = arith.constant 0 : index
    %get3A_18 = vector.load %arg2[%get3A_16, %get3A_17] : memref<1x128xf32, #tpu.memory_space<vmem>>, vector<1x128xf32>
    %mul3A_19 = vector.broadcast %get3A_18 : vector<1x128xf32> to vector<256x128xf32>
    %mul3A_20 = arith.mulf %mul3A_15, %mul3A_19 : vector<256x128xf32>
    %get3A_21 = arith.constant 0 : index
    %get3A_22 = arith.constant 0 : index
    %get3A_23 = vector.load %arg3[%get3A_21, %get3A_22] : memref<1x128xf32, #tpu.memory_space<vmem>>, vector<1x128xf32>
    %add3A_24 = vector.broadcast %get3A_23 : vector<1x128xf32> to vector<256x128xf32>
    %add3A_25 = arith.addf %mul3A_20, %add3A_24 : vector<256x128xf32>
    %swap3A = arith.constant 0 : index
    %swap3A_26 = arith.constant 0 : index
    %swap3A_27 = vector.load %arg4[%swap3A, %swap3A_26] : memref<256x128xf32, #tpu.memory_space<vmem>>, vector<256x128xf32>
    tpu.vector_store %arg4[%swap3A, %swap3A_26], %add3A_25 {strides = array<i32>} : memref<256x128xf32, #tpu.memory_space<vmem>>, vector<256x128xf32>,
    return
  }
  func.func @transform_0(%arg0: i32) -> (i32, i32) {
    %c0_i32 = arith.constant 0 : i32
    %c0_i32_0 = arith.constant 0 : i32
    return %arg0, %c0_i32 : i32, i32
  }
  func.func @transform_1(%arg0: i32) -> (i32, i32) {
    %c0_i32 = arith.constant 0 : i32
    %c0_i32_0 = arith.constant 0 : i32
    %c0_i32_1 = arith.constant 0 : i32
    return %c0_i32, %c0_i32_0 : i32, i32
  }
  func.func @transform_2(%arg0: i32) -> (i32, i32) {
    %c0_i32 = arith.constant 0 : i32
    %c0_i32_0 = arith.constant 0 : i32
    %c0_i32_1 = arith.constant 0 : i32
    return %c0_i32, %c0_i32_0 : i32, i32
  }
  func.func @transform_3(%arg0: i32) -> (i32, i32) {
    %c0_i32 = arith.constant 0 : i32
    %c0_i32_0 = arith.constant 0 : i32
    return %arg0, %c0_i32 : i32, i32
  }
}

</mosaic_0001>

<sc_bundles>
// kernel: kernel.4.cloned.1.call-start
scs
__scs_entry_jumppad:
0x0: {  	(pc) =	sbr.rel $0x88, $3  }
0x1: {  	(tag) =	ssettag $0x0;
	lr =	simm.s32 $0x1  }
0x2: {  	[smem:$0x3F9D] =	sst lr;
	_ =	strace $0xD0000000  }
0x3: {  	_ = 	snop  }
0x4: {  	_ = 	snop  }
0x5: {  	_ = 	snop  }
0x6: {  	_ = 	snop  }
0x7: {  	_ = 	snop  }
__scs_overlays_trampoline_lowered:
0x8: {  	[smem:$0x3FAC] =	sst s0  }
0x9: {  	[smem:$0x3FAD] =	sst s1  }
0xa: {  	[smem:$0x3FAE] =	sst s2  }
0xb: {  	[smem:$0x3FAF] =	sst s3  }
0xc: {  	[smem:$0x3FB0] =	sst s4  }
0xd: {  	[smem:$0x3FB1] =	sst s5  }
0xe: {  	[smem:$0x3FB2] =	sst s6  }
0xf: {  	[smem:$0x3FB3] =	sst s7  }
0x10: {  	[smem:$0x3FB4] =	sst s8  }
0x11: {  	[smem:$0x3FB5] =	sst s9;
	s0 =	simm.s32 @!p0 $0x0  }
0x12: {  	s1 =	sld [smem:$0x3F9B];
	s0 =	simm.s32 @p0 $0x1  }
0x13: {  	[smem:$0x3FB6] =	sst s0;
	s0 =	simm.s32 @!p1 $0x0  }
0x14: {  	s2 =	sld [smem:$0x3F9A];
	s0 =	simm.s32 @p1 $0x1  }
0x15: {  	[smem:$0x3FB7] =	sst s0;
	s0 =	simm.s32 @!p2 $0x0  }
0x16: {  	s3 =	sld [smem:$0x3FDB];
	s0 =	simm.s32 @p2 $0x1  }
0x17: {  	s4 =	simm.s32 $0x1BF5;
	[smem:$0x3FB9] =	sst s0  }
0x18: {  	s0 =	sld [smem:$0x3F9C];
	_ =	swait.ge [sflag:s4], $0x0  }
0x19: {  	s7 =	sld [smem:$0x3F9D]  }
0x1a: {  	s8 =	sadd.s32 $0xFFFFE003, lr  }
0x1b: {  	s9 =	sadd.s32 $0xFFFFFEF7, lr;
	s5 =	simm.s32 $0xFFFFFFFF;
	p2 =	slt.u32 s8, $0xFFFFF086  }
0x1c: {  	p1 =	slt.u32 s9, $0xF7A;
	s5 =	simm.s32 @!p2 $0x0  }
0x1d: {  	s5 =	simm.s32 @p1 $0x1;
	p0 =	seq.s32 s7, s2  }
0x1e: {  	s7 =	smul.u32 @!p0 $0xF7A, s2;
	p2 =	seq.s32 @!p0 s5, $0x0  }
0x1f: {  	s9 =	smul.u32 $0xF7A, s1;
	s8 =	simm.s32 @!p0 $0x1BF5;
	p2 =	por !p2, p0  }
0x20: {  	[sflag:s8] =	ssyncset.s32 @!p0 $0xFFFFF086;
	s6 =	sadd.s32 @!p0 s3, s7;
	s7 =	simm.s32 @!p0 $0x108  }
0x21: {  	s3 =	sadd.s32 s3, s9;
	s6 =	sadd.s32 @!p0 $0x88, s6;
	s7 =	simm.s32 @p2 $0x1082  }
0x22: {  	[simem:s7], [sflag:s8] =	dma.local @!p0 [hbm:s6], $0xF7A  }
0x23: {  	s9 =	sor.u32 $0xD0000000, s2;
	s6 =	simm.s32 $0x108;
	_ =	swait.ge @!p0 [sflag:s8], $0x0  }
0x24: {  	s3 =	sadd.s32 $0x88, s3;
	s6 =	simm.s32 @!p1 $0x1082;
	[sflag:s4] =	ssyncset.s32 $0xFFFFF086  }
0x25: {  	[simem:s6], [sflag:s4] =	dma.local [hbm:s3], $0xF7A  }
0x26: {  	[smem:$0x3F9D] =	sst s1;
	(tag) =	ssettag s2;
	_ =	strace s9  }
0x27: {  	s1 =	sld [smem:$0x3FAD]  }
0x28: {  	s2 =	sld [smem:$0x3FAE]  }
0x29: {  	s4 =	sld [smem:$0x3FB0]  }
0x2a: {  	p0 =	seq.s32 s5, $0x0;
	s5 =	sld [smem:$0x3FB1]  }
0x2b: {  	s6 =	sld [smem:$0x3FB2]  }
0x2c: {  	s7 =	sld [smem:$0x3FB3]  }
0x2d: {  	s3 =	simm.s32 $0x108;
	s8 =	sld [smem:$0x3FB4]  }
0x2e: {  	s3 =	simm.s32 @!p0 $0x1082;
	s9 =	sld [smem:$0x3FB5]  }
0x2f: {  	lr =	sadd.s32 s0, s3;
	s0 =	sld [smem:$0x3FAC]  }
0x30: {  	s3 =	sld [smem:$0x3FAF]  }
0x31: {  	[smem:$0x3FB8] =	sst s10  }
0x32: {  	s10 =	sld [smem:$0x3FB6];
	_ =	sdelay $0x3  }
0x33: {  	p0 =	seq.s32 s10, $0x1;
	s10 =	sld [smem:$0x3FB8];
	_ =	sdelay $0x3  }
0x34: {  	[smem:$0x3FB8] =	sst s10  }
0x35: {  	s10 =	sld [smem:$0x3FB7];
	_ =	sdelay $0x3  }
0x36: {  	p1 =	seq.s32 s10, $0x1;
	s10 =	sld [smem:$0x3FB8];
	_ =	sdelay $0x3  }
0x37: {  	[smem:$0x3FB8] =	sst s10  }
0x38: {  	s10 =	sld [smem:$0x3FB9]  }
0x39: {  	_ = 	snop;
	(pc) =	sbr.ind lr, $3  }
0x3a: {  	_ = 	snop  }
0x3b: {  	_ = 	snop  }
0x3c: {  	p2 =	seq.s32 s10, $0x1;
	s10 =	sld [smem:$0x3FB8]  }
0x3d: {  	_ =	shalt  }
0x3e: {  	_ =	shalt  }
0x3f: {  	_ =	shalt  }
0x40: {  	_ =	shalt  }
0x41: {  	_ =	shalt  }
0x42: {  	_ =	shalt  }
0x43: {  	_ =	shalt  }
0x44: {  	_ =	shalt  }
0x45: {  	_ =	shalt  }
0x46: {  	_ =	shalt  }
0x47: {  	_ =	shalt  }
0x48: {  	_ =	shalt  }
0x49: {  	_ =	shalt  }
0x4a: {  	_ =	shalt  }
0x4b: {  	_ =	shalt  }
0x4c: {  	_ =	shalt  }
0x4d: {  	_ =	shalt  }
0x4e: {  	_ =	shalt  }
0x4f: {  	_ =	shalt  }
0x50: {  	_ =	shalt  }
0x51: {  	_ =	shalt  }
0x52: {  	_ =	shalt  }
0x53: {  	_ =	shalt  }
0x54: {  	_ =	shalt  }
0x55: {  	_ =	shalt  }
0x56: {  	_ =	shalt  }
0x57: {  	_ =	shalt  }
0x58: {  	_ =	shalt  }
0x59: {  	_ =	shalt  }
0x5a: {  	_ =	shalt  }
0x5b: {  	_ =	shalt  }
0x5c: {  	_ =	shalt  }
0x5d: {  	_ =	shalt  }
0x5e: {  	_ =	shalt  }
0x5f: {  	_ =	shalt  }
0x60: {  	_ =	shalt  }
0x61: {  	_ =	shalt  }
0x62: {  	_ =	shalt  }
0x63: {  	_ =	shalt  }
0x64: {  	_ =	shalt  }
0x65: {  	_ =	shalt  }
0x66: {  	_ =	shalt  }
0x67: {  	_ =	shalt  }
0x68: {  	_ =	shalt  }
0x69: {  	_ =	shalt  }
0x6a: {  	_ =	shalt  }
0x6b: {  	_ =	shalt  }
0x6c: {  	_ =	shalt  }
0x6d: {  	_ =	shalt  }
0x6e: {  	_ =	shalt  }
0x6f: {  	_ =	shalt  }
0x70: {  	_ =	shalt  }
0x71: {  	_ =	shalt  }
0x72: {  	_ =	shalt  }
0x73: {  	_ =	shalt  }
0x74: {  	_ =	shalt  }
0x75: {  	_ =	shalt  }
0x76: {  	_ =	shalt  }
0x77: {  	_ =	shalt  }
0x78: {  	_ =	shalt  }
0x79: {  	_ =	shalt  }
0x7a: {  	_ =	shalt  }
0x7b: {  	_ =	shalt  }
0x7c: {  	_ =	shalt  }
0x7d: {  	_ =	shalt  }
0x7e: {  	_ =	shalt  }
0x7f: {  	_ =	shalt  }
0x80: {  	_ =	shalt  }
0x81: {  	_ =	shalt  }
0x82: {  	_ =	shalt  }
0x83: {  	_ =	shalt  }
0x84: {  	_ =	shalt  }
0x85: {  	_ =	shalt  }
0x86: {  	_ =	shalt  }
0x87: {  	_ =	shalt  }
.Lfunc_end0:
.L_simem_size_0:
called_computation_lowered:
.L_overlay_start_0:
0x88: {  	s2 =	sld [smem:$0x3FD9]  }
0x89: {  	s3 =	sld [smem:$0x3FFE];
	_ =	sdelay $0x1  }
0x8a: {  	s1 =	srdreg.scid  }
0x8b: {  	s0 =	sand.u32 $0x1, s1  }
0x8c: {  	s17 =	sshll.u32 s0, $0xA;
	s2 =	sadd.s32 s3, s2  }
0x8d: {  	s2 =	sadd.s32 s2, s17  }
0x8e: {  	[smem:$0x3FC4] =	sst s2  }
0x8f: {  	_ = 	snop  }
0x90: {  	s2 =	sld [smem:$0x3FD0];
	(tm) =	ssettm $0x1  }
0x91: {  	s18 =	sld [smem:$0x3FFB];
	_ =	sdelay $0x3  }
0x92: {  	_ =	strace s18  }
0x93: {  	s3 =	sld [smem:$0x3FFC];
	_ =	sdelay $0x3  }
0x94: {  	_ =	strace s3  }
0x95: {  	s3 =	sld [smem:$0x3FFD];
	_ =	sdelay $0x3  }
0x96: {  	_ =	strace s3  }
0x97: {  	_ =	strace $0x8FFFFFFF  }
0x98: {  	s19 =	sld [smem:$0x3FDB];
	_ =	sdelay $0x1  }
0x99: {  	s4 =	simm.s32 $_scs_section_size  }
0x9a: {  	s5 =	simm.s32 $_size__tile_overlayer_lowered;
	s6 =	simm.s32 $_tile_overlayer_lowered  }
0x9b: {  	s22 =	simm.s32 $0x1BFF;
	s21 =	sshll.u32 s6, $0x1;
	s3 =	sadd.s32 s4, s19  }
0x9c: {  	s7 =	simm.s32 $0x0;
	s20 =	sshll.u32 s5, $0x1;
	s5 =	sadd.s32 s21, s3  }
0x9d: {  	[timem:s7], [sflag:s22] =	dma.local [hbm:s5], s20  }
0x9e: {  	_ =	swait.ge [sflag:s22], s20  }
0x9f: {  	s4 =	ssub.s32 $0x0, s20;
	[sflag:s22] =	ssyncset.done $0x0  }
0xa0: {  	[sflag:s22] =	ssyncadd.s32 s4;
	_ =	sdelay $0x1  }
0xa1: {  	s23 =	simm.s32 $0x1B8B  }
0xa2: {  	_ =	swait.ge [sflag:s23], $0x1  }
0xa3: {  	[sflag:s23] =	ssyncset.done $0x0  }
0xa4: {  	s25 =	simm.s32 $0x1B8E;
	s24 =	sld [smem:$0x3FFE];
	[sflag:s23] =	ssyncadd.s32 $0xFFFFFFFF  }
0xa5: {  	s26 =	simm.s32 $execute0_lowered;
	[smem:$0x3FD2] =	sst s25  }
0xa6: {  	s5 =	sshll.u32 s26, $0x1;
	_ =	strace $0x80000046;
	[dreg:$0x1] =	wrdreg $0xFFFFFFFF  }
0xa7: {  	s28 =	simm.s32 $_size_execute0_lowered;
	s3 =	sadd.s32 s3, s5;
	[dreg:$0x0] =	wrdreg $0x0  }
0xa8: {  	s5 =	sshll.u32 s28, $0x1;
	[dreg:$0x2] =	wrdreg s3  }
0xa9: {  	[dreg:$0x3] =	wrdreg s5  }
0xaa: {  	[dreg:$0x4] =	wrdreg $0xC0  }
0xab: {  	_ =	task [dreg:s7], $0x5FFFF  }
0xac: {  	[dreg:$0x1] =	wrdreg $0xFFFFFFFF  }
0xad: {  	[dreg:$0x0] =	wrdreg $0x60  }
0xae: {  	[dreg:$0x2] =	wrdreg s24  }
0xaf: {  	[dreg:$0x3] =	wrdreg s2  }
0xb0: {  	[dreg:$0x4] =	wrdreg $0x9  }
0xb1: {  	_ =	task.clear_ibuf [dreg:s7], $0x5FFFF;
	_ =	strace $0x90000046  }
0xb2: {  	s29 =	simm.s32 $0x9;
	_ =	strace $0x80000048  }
0xb3: {  	_ =	swait.ge [sflag:s29], $0x1  }
0xb4: {  	[sflag:s29] =	ssyncadd.s32 $0xFFFFFFFF  }
0xb5: {  	_ =	strace $0x90000048  }
0xb6: {  	_ =	sfence  }
0xb7: {  	s30 =	sld [smem:$0x0];
	_ =	sdelay $0x2  }
0xb8: {  	s31 =	sshll.u32 s1, $0xD;
	s1 =	sshrl.u32 s1, $0x2  }
0xb9: {  	s3 =	sand.u32 $0x4000, s31;
	s1 =	sadd.s32 s1, s30  }
0xba: {  	s0 =	sor.u32 s3, s0;
	s1 =	sshll.u32 s1, $0x11  }
0xbb: {  	s0 =	sor.u32 s1, s0  }
0xbc: {  	s0 =	sadd.s32 $0x8F2B, s0  }
0xbd: {  	[sflag:s0] =	ssyncadd.remote.s32 $0x1  }
0xbe: {  	_ =	sfence.sel $0xFFFF  }
0xbf: {  	[dreg:$0x0] =	wrdreg $0xFFFFFFFF;
	(pc) =	sbr.abs _section_cstart, $3  }
0xc0: {  	[dreg:$0x1] =	wrdreg $0xFFFFFFFF  }
0xc1: {  	_ =	task.clear_ibuf [dreg:s7], $0x2FFFF;
	_ =	strace $0x9FFFFFFF  }
0xc2: {  	(tm) =	ssettm $0x7FFFFFFF  }
0xc3: {  	_ =	shalt  }
tec
execute0_lowered:
.L_overlay_start_1:
0x0: {  	(tag) =	ssettag $0x1  }
0x1: {  	s0 =	rddreg [dreg:$0x0]  }
0x2: {  	s2 =	rddreg [dreg:$0x1];
	s1 =	simm.s32 $0x0;
	s3 =	srdreg.scid  }
0x3: {  	s10 =	stileid.u32;
	s28 =	simm.s32 $0x2;
	s30 =	simm.s32 $0x17F80  }
0x4: {  	s31 =	simm.s32 $0x3;
	s29 =	simm.s32 $0x5;
	[smem:$0x7FF] =	sst s1  }
0x5: {  	s4 =	sand.u32 $0x1, s3;
	s3 =	sadd.s32 $0x20A00, s0;
	s7 =	sshll.u32 s10, $0x10  }
0x6: {  	s0 =	sadd.s32 $0xA00, s0;
	s25 =	sshll.u32 s10, $0x14;
	s10 =	simm.s32 $0x0  }
0x7: {  	_ =	strace $0x80000047;
	s5 =	ssub.s32 $0x2, s4;
	s8 =	sshll.u32 s4, $0xF  }
0x8: {  	s4 =	sshll.u32 s4, $0x13;
	s6 =	sshrl.u32 s5, $0x1;
	s15 =	sor.u32 s8, s7  }
0x9: {  	s6 =	ssub.s32 s5, s6;
	s7 =	sshrl.u32 s15, $0x3;
	s9 =	sor.u32 $0x7F80, s15  }
0xa: {  	s8 =	sshll.u32 s15, $0x4;
	s16 =	sadd.s32 s0, s7;
	s17 =	sshrl.u32 s9, $0x3  }
0xb: {  	s5 =	sadd.s32 s2, s8;
	[dreg:$0x3] =	wrdreg s16;
	s0 =	sadd.s32 s0, s17  }
0xc: {  	s26 =	sshll.u32 s9, $0x4;
	s18 =	sadd.s32 $0x800, s5;
	[dreg:$0x4] =	wrdreg s0  }
0xd: {  	s7 =	simm.s32 $0xA;
	s19 =	sadd.s32 $0x1000, s5;
	[dreg:$0x5] =	wrdreg s18  }
0xe: {  	s9 =	simm.s32 $0xC;
	s20 =	sadd.s32 $0x7C800, s5;
	[dreg:$0x6] =	wrdreg s19  }
0xf: {  	s21 =	sadd.s32 $0x7D000, s5;
	s22 =	sadd.s32 $0x7D800, s5;
	[dreg:$0x7] =	wrdreg s20  }
0x10: {  	s23 =	sadd.s32 $0x7E000, s5;
	s24 =	sadd.s32 $0x7E800, s5;
	[dreg:$0x8] =	wrdreg s21  }
0x11: {  	s8 =	sadd.s32 $0x7F000, s5;
	s15 =	sadd.s32 s2, s26;
	[dreg:$0x9] =	wrdreg s22  }
0x12: {  	s16 =	smax.u32 s6, $0x1;
	s26 =	simm.s32 $0x13F80;
	[dreg:$0xa] =	wrdreg s23  }
0x13: {  	s6 =	simm.s32 $0x9;
	[dreg:$0xb] =	wrdreg s24;
	s0 =	sadd.s32 s25, s2  }
0x14: {  	[dreg:$0xc] =	wrdreg s8;
	s18 =	simm.s32 $0xD;
	s19 =	simm.s32 $0x80  }
0x15: {  	s20 =	simm.s32 $0x7F80;
	s21 =	simm.s32 $0xBF80;
	s23 =	simm.s32 $0xFF80  }
0x16: {  	s24 =	simm.s32 $0x1;
	s2 =	simm.s32 $0x1BF80;
	s22 =	simm.s32 $0x4  }
0x17: {  	s25 =	simm.s32 $0x7;
	s8 =	simm.s32 $0xB;
	s0 =	sadd.s32 s4, s0  }
0x18: {  	s4 =	simm.s32 $0x6;
	s17 =	sadd.s32 $0x2000, s0;
	s0 =	simm.s32 $0x8  }
.LBB2_1:
0x19: {  	s11 =	rddreg [dreg:$0x3]  }
0x1a: {  	[tilespmem:s1], [sflag:$0xD] =	stream.linear.gather [hbm4b:s11+s1], $0x7F80, $0x38;
	[tilespmem:$0x1FF80] =	vst v63  }
0x1b: {  	_ =	swait.ge [sflag:s18], $0x7F80  }
0x1c: {  	[sflag:s18] =	ssyncset.done $0x0  }
0x1d: {  	[sflag:s18] =	ssyncadd.s32 $0xFFFF8080  }
0x1e: {  	[tilespmem:s20], [sflag:$0x1] =	stream.indirect.gather [hbm4b:s3+s19], $0x80, s1, s19, $0xb8;
	[tilespmem:$0x1FF80] =	vst v63  }
0x1f: {  	_ = 	snop  }
0x20: {  	[tilespmem:s21], [sflag:$0x2] =	stream.indirect.gather [hbm4b:s3+s19], $0x80, s19, s19, $0xb8;
	[tilespmem:$0x1FF80] =	vst v63  }
0x21: {  	s13 =	simm.s32 $0x100  }
0x22: {  	[tilespmem:s23], [sflag:$0x3] =	stream.indirect.gather [hbm4b:s3+s19], $0x80, s13, s19, $0xb8;
	[tilespmem:$0x1FF80] =	vst v63  }
0x23: {  	_ =	swait.ge [sflag:s24], $0x4000  }
0x24: {  	[sflag:s24] =	ssyncset.done $0x0  }
0x25: {  	[sflag:s24] =	ssyncadd.s32 $0xFFFFC000  }
0x26: {  	[hbm4b:s5+s1] =	stream.linear.scatter [tilespmem:s20], [sflag:$0x7], $0x4000, $0x38;
	[tilespmem:$0x1FF80] =	vst v63  }
0x27: {  	s14 =	simm.s32 $0x180  }
0x28: {  	[tilespmem:s26], [sflag:$0x4] =	stream.indirect.gather [hbm4b:s3+s19], $0x80, s14, s19, $0xb8;
	[tilespmem:$0x1FF80] =	vst v63  }
0x29: {  	s12 =	rddreg [dreg:$0x4]  }
0x2a: {  	[tilespmem:s1], [sflag:$0xD] =	stream.linear.gather [hbm4b:s12+s1], $0x80, $0x38;
	[tilespmem:$0x1FF80] =	vst v63  }
0x2b: {  	_ =	swait.ge [sflag:s18], $0x80  }
0x2c: {  	[sflag:s18] =	ssyncset.done $0x0  }
0x2d: {  	[sflag:s18] =	ssyncadd.s32 $0xFFFFFF80  }
0x2e: {  	_ =	swait.ge [sflag:s28], $0x4000  }
0x2f: {  	[sflag:s28] =	ssyncset.done $0x0  }
0x30: {  	s13 =	rddreg [dreg:$0x5];
	[sflag:s28] =	ssyncadd.s32 $0xFFFFC000  }
0x31: {  	[hbm4b:s13+s1] =	stream.linear.scatter [tilespmem:s21], [sflag:$0x8], $0x4000, $0x38;
	[tilespmem:$0x1FF80] =	vst v63  }
0x32: {  	s14 =	simm.s32 $0x200  }
0x33: {  	[tilespmem:s30], [sflag:$0x5] =	stream.indirect.gather [hbm4b:s3+s19], $0x80, s14, s19, $0xb8;
	[tilespmem:$0x1FF80] =	vst v63  }
0x34: {  	_ =	swait.ge [sflag:s31], $0x4000  }
0x35: {  	[sflag:s31] =	ssyncset.done $0x0  }
0x36: {  	s12 =	rddreg [dreg:$0x6];
	[sflag:s31] =	ssyncadd.s32 $0xFFFFC000  }
0x37: {  	[hbm4b:s12+s1] =	stream.linear.scatter [tilespmem:s23], [sflag:$0x9], $0x4000, $0x38;
	[tilespmem:$0x1FF80] =	vst v63  }
0x38: {  	s13 =	simm.s32 $0x280  }
0x39: {  	[tilespmem:s2], [sflag:$0x6] =	stream.indirect.gather [hbm4b:s3+s19], $0x80, s13, s19, $0xb8;
	[tilespmem:$0x1FF80] =	vst v63  }
0x3a: {  	_ =	swait.ge [sflag:s22], $0x4000  }
0x3b: {  	[sflag:s22] =	ssyncset.done $0x0  }
0x3c: {  	s14 =	sadd.s32 $0xFFFFF800, s17;
	[sflag:s22] =	ssyncadd.s32 $0xFFFFC000  }
0x3d: {  	[hbm4b:s14+s1] =	stream.linear.scatter [tilespmem:s26], [sflag:$0xA], $0x4000, $0x38;
	[tilespmem:$0x1FF80] =	vst v63  }
0x3e: {  	_ =	swait.ge [sflag:s25], $0x4000  }
0x3f: {  	[sflag:s25] =	ssyncset.done $0x0  }
0x40: {  	s12 =	simm.s32 $0x300;
	[sflag:s25] =	ssyncadd.s32 $0xFFFFC000  }
0x41: {  	[tilespmem:s20], [sflag:$0x1] =	stream.indirect.gather [hbm4b:s3+s19], $0x80, s12, s19, $0xb8;
	[tilespmem:$0x1FF80] =	vst v63  }
0x42: {  	_ =	swait.ge [sflag:s29], $0x4000  }
0x43: {  	[sflag:s29] =	ssyncset.done $0x0  }
0x44: {  	[sflag:s29] =	ssyncadd.s32 $0xFFFFC000  }
0x45: {  	[hbm4b:s17+s1] =	stream.linear.scatter [tilespmem:s30], [sflag:$0xB], $0x4000, $0x38;
	[tilespmem:$0x1FF80] =	vst v63  }
0x46: {  	_ =	swait.ge [sflag:s0], $0x4000  }
0x47: {  	[sflag:s0] =	ssyncset.done $0x0  }
0x48: {  	s13 =	simm.s32 $0x380;
	[sflag:s0] =	ssyncadd.s32 $0xFFFFC000  }
0x49: {  	[tilespmem:s21], [sflag:$0x2] =	stream.indirect.gather [hbm4b:s3+s19], $0x80, s13, s19, $0xb8;
	[tilespmem:$0x1FF80] =	vst v63  }
0x4a: {  	_ =	swait.ge [sflag:s4], $0x4000  }
0x4b: {  	[sflag:s4] =	ssyncset.done $0x0  }
0x4c: {  	s14 =	sadd.s32 $0x800, s17;
	[sflag:s4] =	ssyncadd.s32 $0xFFFFC000  }
0x4d: {  	[hbm4b:s14+s1] =	stream.linear.scatter [tilespmem:s2], [sflag:$0xC], $0x4000, $0x38;
	[tilespmem:$0x1FF80] =	vst v63  }
0x4e: {  	_ =	swait.ge [sflag:s6], $0x4000  }
0x4f: {  	[sflag:s6] =	ssyncset.done $0x0  }
0x50: {  	s12 =	simm.s32 $0x400;
	[sflag:s6] =	ssyncadd.s32 $0xFFFFC000  }
0x51: {  	[tilespmem:s23], [sflag:$0x3] =	stream.indirect.gather [hbm4b:s3+s19], $0x80, s12, s19, $0xb8;
	[tilespmem:$0x1FF80] =	vst v63  }
0x52: {  	_ =	swait.ge [sflag:s24], $0x4000  }
0x53: {  	[sflag:s24] =	ssyncset.done $0x0  }
0x54: {  	s13 =	sadd.s32 $0x1000, s17;
	[sflag:s24] =	ssyncadd.s32 $0xFFFFC000  }
0x55: {  	[hbm4b:s13+s1] =	stream.linear.scatter [tilespmem:s20], [sflag:$0x7], $0x4000, $0x38;
	[tilespmem:$0x1FF80] =	vst v63  }
0x56: {  	_ =	swait.ge [sflag:s7], $0x4000  }
0x57: {  	[sflag:s7] =	ssyncset.done $0x0  }
0x58: {  	s14 =	simm.s32 $0x480;
	[sflag:s7] =	ssyncadd.s32 $0xFFFFC000  }
0x59: {  	[tilespmem:s26], [sflag:$0x4] =	stream.indirect.gather [hbm4b:s3+s19], $0x80, s14, s19, $0xb8;
	[tilespmem:$0x1FF80] =	vst v63  }
0x5a: {  	_ =	swait.ge [sflag:s28], $0x4000  }
0x5b: {  	[sflag:s28] =	ssyncset.done $0x0  }
0x5c: {  	s12 =	sadd.s32 $0x1800, s17;
	[sflag:s28] =	ssyncadd.s32 $0xFFFFC000  }
0x5d: {  	[hbm4b:s12+s1] =	stream.linear.scatter [tilespmem:s21], [sflag:$0x8], $0x4000, $0x38;
	[tilespmem:$0x1FF80] =	vst v63  }
0x5e: {  	_ =	swait.ge [sflag:s8], $0x4000  }
0x5f: {  	[sflag:s8] =	ssyncset.done $0x0  }
0x60: {  	s13 =	simm.s32 $0x500;
	[sflag:s8] =	ssyncadd.s32 $0xFFFFC000  }
0x61: {  	[tilespmem:s30], [sflag:$0x5] =	stream.indirect.gather [hbm4b:s3+s19], $0x80, s13, s19, $0xb8;
	[tilespmem:$0x1FF80] =	vst v63  }
0x62: {  	_ =	swait.ge [sflag:s31], $0x4000  }
0x63: {  	[sflag:s31] =	ssyncset.done $0x0  }
0x64: {  	s14 =	sadd.s32 $0x2000, s17;
	[sflag:s31] =	ssyncadd.s32 $0xFFFFC000  }
0x65: {  	[hbm4b:s14+s1] =	stream.linear.scatter [tilespmem:s23], [sflag:$0x9], $0x4000, $0x38;
	[tilespmem:$0x1FF80] =	vst v63  }
0x66: {  	_ =	swait.ge [sflag:s9], $0x4000  }
0x67: {  	s11 =	simm.s32 $0xC00;
	[sflag:s9] =	ssyncset.done $0x0  }
0x68: {  	s12 =	sadd.s32 $0x3000, s17;
	s13 =	simm.s32 $0x580;
	[sflag:s9] =	ssyncadd.s32 $0xFFFFC000  }
.LBB2_2:
0x69: {  	[tilespmem:s2], [sflag:$0x6] =	stream.indirect.gather [hbm4b:s3+s19], $0x80, s13, s19, $0xb8;
	[tilespmem:$0x1FF80] =	vst v63  }
0x6a: {  	s13 =	smov.u32 s11  }
0x6b: {  	p0 =	sne.s32 s11, $0x1E000;
	s11 =	sadd.s32 $0xC00, s11;
	_ =	swait.ge [sflag:s22], $0x4000  }
0x6c: {  	[sflag:s22] =	ssyncset.done $0x0  }
0x6d: {  	s14 =	sadd.s32 $0xFFFFF800, s12;
	[sflag:s22] =	ssyncadd.s32 $0xFFFFC000  }
0x6e: {  	[hbm4b:s14+s1] =	stream.linear.scatter [tilespmem:s26], [sflag:$0xA], $0x4000, $0x38;
	[tilespmem:$0x1FF80] =	vst v63  }
0x6f: {  	_ =	swait.ge [sflag:s25], $0x4000  }
0x70: {  	s13 =	sshra.s32 s13, $0x2;
	[sflag:s25] =	ssyncset.done $0x0  }
0x71: {  	s14 =	sadd.s32 $0x300, s13;
	[sflag:s25] =	ssyncadd.s32 $0xFFFFC000  }
0x72: {  	[tilespmem:s20], [sflag:$0x1] =	stream.indirect.gather [hbm4b:s3+s19], $0x80, s14, s19, $0xb8;
	[tilespmem:$0x1FF80] =	vst v63  }
0x73: {  	_ =	swait.ge [sflag:s29], $0x4000  }
0x74: {  	[sflag:s29] =	ssyncset.done $0x0  }
0x75: {  	[sflag:s29] =	ssyncadd.s32 $0xFFFFC000  }
0x76: {  	[hbm4b:s12+s1] =	stream.linear.scatter [tilespmem:s30], [sflag:$0xB], $0x4000, $0x38;
	[tilespmem:$0x1FF80] =	vst v63  }
0x77: {  	_ =	swait.ge [sflag:s0], $0x4000  }
0x78: {  	[sflag:s0] =	ssyncset.done $0x0  }
0x79: {  	s14 =	sadd.s32 $0x380, s13;
	[sflag:s0] =	ssyncadd.s32 $0xFFFFC000  }
0x7a: {  	[tilespmem:s21], [sflag:$0x2] =	stream.indirect.gather [hbm4b:s3+s19], $0x80, s14, s19, $0xb8;
	[tilespmem:$0x1FF80] =	vst v63  }
0x7b: {  	_ =	swait.ge [sflag:s4], $0x4000  }
0x7c: {  	[sflag:s4] =	ssyncset.done $0x0  }
0x7d: {  	s14 =	sadd.s32 $0x800, s12;
	[sflag:s4] =	ssyncadd.s32 $0xFFFFC000  }
0x7e: {  	[hbm4b:s14+s1] =	stream.linear.scatter [tilespmem:s2], [sflag:$0xC], $0x4000, $0x38;
	[tilespmem:$0x1FF80] =	vst v63  }
0x7f: {  	_ =	swait.ge [sflag:s6], $0x4000  }
0x80: {  	[sflag:s6] =	ssyncset.done $0x0  }
0x81: {  	s14 =	sadd.s32 $0x400, s13;
	[sflag:s6] =	ssyncadd.s32 $0xFFFFC000  }
0x82: {  	[tilespmem:s23], [sflag:$0x3] =	stream.indirect.gather [hbm4b:s3+s19], $0x80, s14, s19, $0xb8;
	[tilespmem:$0x1FF80] =	vst v63  }
0x83: {  	_ =	swait.ge [sflag:s24], $0x4000  }
0x84: {  	[sflag:s24] =	ssyncset.done $0x0  }
0x85: {  	s14 =	sadd.s32 $0x1000, s12;
	[sflag:s24] =	ssyncadd.s32 $0xFFFFC000  }
0x86: {  	[hbm4b:s14+s1] =	stream.linear.scatter [tilespmem:s20], [sflag:$0x7], $0x4000, $0x38;
	[tilespmem:$0x1FF80] =	vst v63  }
0x87: {  	_ =	swait.ge [sflag:s7], $0x4000  }
0x88: {  	[sflag:s7] =	ssyncset.done $0x0  }
0x89: {  	s14 =	sadd.s32 $0x480, s13;
	[sflag:s7] =	ssyncadd.s32 $0xFFFFC000  }
0x8a: {  	[tilespmem:s26], [sflag:$0x4] =	stream.indirect.gather [hbm4b:s3+s19], $0x80, s14, s19, $0xb8;
	[tilespmem:$0x1FF80] =	vst v63  }
0x8b: {  	_ =	swait.ge [sflag:s28], $0x4000  }
0x8c: {  	[sflag:s28] =	ssyncset.done $0x0  }
0x8d: {  	s14 =	sadd.s32 $0x1800, s12;
	[sflag:s28] =	ssyncadd.s32 $0xFFFFC000  }
0x8e: {  	[hbm4b:s14+s1] =	stream.linear.scatter [tilespmem:s21], [sflag:$0x8], $0x4000, $0x38;
	[tilespmem:$0x1FF80] =	vst v63  }
0x8f: {  	_ =	swait.ge [sflag:s8], $0x4000  }
0x90: {  	[sflag:s8] =	ssyncset.done $0x0  }
0x91: {  	s14 =	sadd.s32 $0x500, s13;
	[sflag:s8] =	ssyncadd.s32 $0xFFFFC000  }
0x92: {  	[tilespmem:s30], [sflag:$0x5] =	stream.indirect.gather [hbm4b:s3+s19], $0x80, s14, s19, $0xb8;
	[tilespmem:$0x1FF80] =	vst v63  }
0x93: {  	_ =	swait.ge [sflag:s31], $0x4000  }
0x94: {  	[sflag:s31] =	ssyncset.done $0x0  }
.Ltmp0:
0x95: {  	s14 =	sadd.s32 $0x2000, s12;
	[sflag:s31] =	ssyncadd.s32 $0xFFFFC000;
	(pc) =	sbr.rel @p0 .LBB2_2-.Ltmp0, $4  }
0x96: {  	[hbm4b:s14+s1] =	stream.linear.scatter [tilespmem:s23], [sflag:$0x9], $0x4000, $0x38;
	[tilespmem:$0x1FF80] =	vst v63  }
0x97: {  	_ =	swait.ge [sflag:s9], $0x4000  }
0x98: {  	[sflag:s9] =	ssyncset.done $0x0  }
0x99: {  	s13 =	sadd.s32 $0x580, s13;
	s12 =	sadd.s32 $0x3000, s12;
	[sflag:s9] =	ssyncadd.s32 $0xFFFFC000  }
0x9a: {  	[tilespmem:s2], [sflag:$0x6] =	stream.indirect.gather [hbm4b:s3+s19], $0x80, s13, s19, $0xb8;
	[tilespmem:$0x1FF80] =	vst v63  }
0x9b: {  	_ =	swait.ge [sflag:s22], $0x4000  }
0x9c: {  	[sflag:s22] =	ssyncset.done $0x0  }
0x9d: {  	s11 =	rddreg [dreg:$0x7];
	[sflag:s22] =	ssyncadd.s32 $0xFFFFC000  }
0x9e: {  	[hbm4b:s11+s1] =	stream.linear.scatter [tilespmem:s26], [sflag:$0xA], $0x4000, $0x38;
	[tilespmem:$0x1FF80] =	vst v63  }
0x9f: {  	_ =	swait.ge [sflag:s25], $0x4000  }
0xa0: {  	[sflag:s25] =	ssyncset.done $0x0  }
0xa1: {  	s13 =	simm.s32 $0x7E00;
	[sflag:s25] =	ssyncadd.s32 $0xFFFFC000  }
0xa2: {  	[tilespmem:s20], [sflag:$0x1] =	stream.indirect.gather [hbm4b:s3+s19], $0x80, s13, s19, $0xb8;
	[tilespmem:$0x1FF80] =	vst v63  }
0xa3: {  	_ =	swait.ge [sflag:s29], $0x4000  }
0xa4: {  	[sflag:s29] =	ssyncset.done $0x0  }
0xa5: {  	s14 =	rddreg [dreg:$0x8];
	[sflag:s29] =	ssyncadd.s32 $0xFFFFC000  }
0xa6: {  	[hbm4b:s14+s1] =	stream.linear.scatter [tilespmem:s30], [sflag:$0xB], $0x4000, $0x38;
	[tilespmem:$0x1FF80] =	vst v63  }
0xa7: {  	_ =	swait.ge [sflag:s0], $0x4000  }
0xa8: {  	[sflag:s0] =	ssyncset.done $0x0  }
0xa9: {  	s12 =	simm.s32 $0x7E80;
	[sflag:s0] =	ssyncadd.s32 $0xFFFFC000  }
0xaa: {  	[tilespmem:s21], [sflag:$0x2] =	stream.indirect.gather [hbm4b:s3+s19], $0x80, s12, s19, $0xb8;
	[tilespmem:$0x1FF80] =	vst v63  }
0xab: {  	_ =	swait.ge [sflag:s4], $0x4000  }
0xac: {  	[sflag:s4] =	ssyncset.done $0x0  }
0xad: {  	s13 =	rddreg [dreg:$0x9];
	[sflag:s4] =	ssyncadd.s32 $0xFFFFC000  }
0xae: {  	[hbm4b:s13+s1] =	stream.linear.scatter [tilespmem:s2], [sflag:$0xC], $0x4000, $0x38;
	[tilespmem:$0x1FF80] =	vst v63  }
0xaf: {  	_ =	swait.ge [sflag:s6], $0x4000  }
0xb0: {  	[sflag:s6] =	ssyncset.done $0x0  }
0xb1: {  	s14 =	simm.s32 $0x7F00;
	[sflag:s6] =	ssyncadd.s32 $0xFFFFC000  }
0xb2: {  	[tilespmem:s23], [sflag:$0x3] =	stream.indirect.gather [hbm4b:s3+s19], $0x80, s14, s19, $0xb8;
	[tilespmem:$0x1FF80] =	vst v63  }
0xb3: {  	_ =	swait.ge [sflag:s24], $0x4000  }
0xb4: {  	[sflag:s24] =	ssyncset.done $0x0  }
0xb5: {  	s12 =	rddreg [dreg:$0xa];
	[sflag:s24] =	ssyncadd.s32 $0xFFFFC000  }
0xb6: {  	[hbm4b:s12+s1] =	stream.linear.scatter [tilespmem:s20], [sflag:$0x7], $0x4000, $0x38;
	[tilespmem:$0x1FF80] =	vst v63  }
0xb7: {  	_ =	swait.ge [sflag:s7], $0x4000  }
0xb8: {  	[sflag:s7] =	ssyncset.done $0x0  }
0xb9: {  	[sflag:s7] =	ssyncadd.s32 $0xFFFFC000  }
0xba: {  	[tilespmem:s26], [sflag:$0x4] =	stream.indirect.gather [hbm4b:s3+s19], $0x80, s1, s19, $0xb8;
	[tilespmem:$0x1FF80] =	vst v63  }
0xbb: {  	_ =	swait.ge [sflag:s28], $0x4000  }
0xbc: {  	[sflag:s28] =	ssyncset.done $0x0  }
0xbd: {  	s13 =	rddreg [dreg:$0xb];
	[sflag:s28] =	ssyncadd.s32 $0xFFFFC000  }
0xbe: {  	[hbm4b:s13+s1] =	stream.linear.scatter [tilespmem:s21], [sflag:$0x8], $0x4000, $0x38;
	[tilespmem:$0x1FF80] =	vst v63  }
0xbf: {  	_ =	swait.ge [sflag:s31], $0x4000  }
0xc0: {  	[sflag:s31] =	ssyncset.done $0x0  }
0xc1: {  	s14 =	rddreg [dreg:$0xc];
	[sflag:s31] =	ssyncadd.s32 $0xFFFFC000  }
0xc2: {  	[hbm4b:s14+s1] =	stream.linear.scatter [tilespmem:s23], [sflag:$0x9], $0x4000, $0x38;
	[tilespmem:$0x1FF80] =	vst v63  }
0xc3: {  	_ =	swait.ge [sflag:s22], $0x4000  }
0xc4: {  	[sflag:s22] =	ssyncset.done $0x0  }
0xc5: {  	[sflag:s22] =	ssyncadd.s32 $0xFFFFC000  }
0xc6: {  	[hbm4b:s15+s1] =	stream.linear.scatter [tilespmem:s26], [sflag:$0xA], $0x4000, $0x38;
	[tilespmem:$0x1FF80] =	vst v63  }
0xc7: {  	_ =	swait.ge [sflag:s8], $0x4000  }
0xc8: {  	[sflag:s8] =	ssyncset.done $0x0  }
0xc9: {  	[sflag:s8] =	ssyncadd.s32 $0xFFFFC000  }
0xca: {  	_ =	swait.ge [sflag:s9], $0x4000  }
0xcb: {  	[sflag:s9] =	ssyncset.done $0x0  }
0xcc: {  	[sflag:s9] =	ssyncadd.s32 $0xFFFFC000  }
0xcd: {  	_ =	swait.ge [sflag:s25], $0x4000  }
0xce: {  	[sflag:s25] =	ssyncset.done $0x0  }
0xcf: {  	[sflag:s25] =	ssyncadd.s32 $0xFFFFC000  }
0xd0: {  	_ =	swait.ge [sflag:s0], $0x4000  }
0xd1: {  	[sflag:s0] =	ssyncset.done $0x0  }
0xd2: {  	s10 =	sadd.s32 $0x1, s10;
	[sflag:s0] =	ssyncadd.s32 $0xFFFFC000  }
0xd3: {  	p0 =	sne.s32 s10, s16;
	_ =	swait.ge [sflag:s6], $0x4000  }
.Ltmp1:
0xd4: {  	[sflag:s6] =	ssyncset.done $0x0;
	(pc) =	sbr.rel @p0 .LBB2_1-.Ltmp1, $4  }
0xd5: {  	[sflag:s6] =	ssyncadd.s32 $0xFFFFC000  }
0xd6: {  	_ =	swait.ge [sflag:s7], $0x4000  }
0xd7: {  	[sflag:s7] =	ssyncset.done $0x0  }
0xd8: {  	[sflag:s7] =	ssyncadd.s32 $0xFFFFC000  }
0xd9: {  	_ =	sfence.sel $0x180000  }
0xda: {  	[bflag:$0x0] =	sbarrier.arrive $0xFFFF  }
0xdb: {  	_ =	strace $0x90000047  }
0xdc: {  	s0 =	stileid.u32;
	[bflag:$0x2] =	sbarrier.arrive $0xFFFF  }
0xdd: {  	p0 =	sne.s32 s0, $0x0;
	s0 =	rddreg [dreg:$0x2]  }
0xde: {  	s0 =	sadd.s32 @!p0 $0x100000, s0  }
0xdf: {  	[sflag:s0] =	ssyncadd.tile.s32 @!p0 $0x1;
	_ =	shalt  }
.Lfunc_end2:
_tile_overlayer_lowered:
.L_overlay_start_2:
0xe0: {  	(tag) =	ssettag $0x2  }
0xe1: {  	s0 =	rddreg [dreg:$0x0];
	s2 =	stileid.u32  }
0xe2: {  	s1 =	rddreg [dreg:$0x1];
	p0 =	sne.s32 s2, $0x0  }
0xe3: {  	s3 =	rddreg [dreg:$0x2];
	[bflag:$0x3] =	sbarrier.arrive $0xFFFF;
	s2 =	simm.s32 @!p0 $0x1C0D  }
0xe4: {  	[timem:s3], [sflag:s2] =	dma.local @!p0 [hbm:s0], s1  }
0xe5: {  	s0 =	simm.s32 @!p0 $0xD  }
0xe6: {  	_ =	swait.ge @!p0 [sflag:s0], s1  }
0xe7: {  	s1 =	ssub.s32 @!p0 $0x0, s1;
	[sflag:s0] =	ssyncset.done @!p0 $0x0  }
0xe8: {  	[sflag:s0] =	ssyncadd.s32 @!p0 s1  }
0xe9: {  	[bflag:$0x3] =	sbarrier.arrive $0xFFFF  }
0xea: {  	_ =	shalt  }

</sc_bundles>
